<compile_context>
chip_gen: v7x
topology: tpu7x:2x2x1
jax: 0.10.2.dev20260603
libtpu: 0.0.44.dev20260713+nightly
codegen_flags: <defaults>
</compile_context>

<pallas_src>
import functools

import jax
import jax.numpy as jnp
from jax import lax
from jax.experimental import pallas as pl
from jax.experimental.pallas import tpu as pltpu
from jax.experimental.pallas import tpu_sc as plsc

_L = 128


@functools.cache
def _build(N, S, V, D):
    info = plsc.get_sparse_core_info()
    NC, NS = info.num_cores, info.num_subcores
    NW = NC * NS
    assert N % (_L * NW) == 0 and D % 8 == 0 and S % 8 == 0
    NB = N // _L
    ST = S // 8

    mesh = plsc.VectorSubcoreMesh(core_axis_name="c", subcore_axis_name="s")

    @functools.partial(
        pl.kernel,
        out_type=jax.ShapeDtypeStruct((S, D // 8, NB, 8, _L), jnp.float32),
        mesh=mesh,
        scratch_types=[
            pltpu.VMEM((ST, 1, 8, _L), jnp.int32),
            pltpu.VMEM((_L, D), jnp.float32),
            pltpu.VMEM((_L, D), jnp.float32),
            pltpu.VMEM((_L, D), jnp.float32),
            pltpu.VMEM((_L, D), jnp.float32),
            pltpu.VMEM((D // 8, 1, 8, _L + 1), jnp.float32),
            pltpu.VMEM((D // 8, 1, 8, _L + 1), jnp.float32),
            pltpu.SemaphoreType.DMA,
            pltpu.SemaphoreType.DMA,
            pltpu.SemaphoreType.DMA,
            pltpu.SemaphoreType.DMA,
            pltpu.SemaphoreType.DMA,
            pltpu.SemaphoreType.DMA,
        ],
        compiler_params=pltpu.CompilerParams(use_tc_tiling_on_sc=False,
                                             needs_layout_passes=False),
    )
    def gather_kernel(idx_hbm, table_hbm, out_hbm, idx_v, r0, r1, r2, r3,
                      t0, t1, g0, g1, g2, g3, w0, w1):
        wid = lax.axis_index("s") * NC + lax.axis_index("c")
        pltpu.sync_copy(idx_hbm.at[:, pl.ds(wid, 1)], idx_v)

        iot = lax.iota(jnp.int32, 16)
        zero16 = jnp.zeros((16,), jnp.int32)
        dts = [(iot + 16 * k) // 8 for k in range(D // 16)]
        drs = [lax.rem(iot + 16 * k, 8) for k in range(D // 16)]

        def fire_gather(s, rbuf, sem):
            pltpu.async_copy(table_hbm.at[idx_v.at[s // 8, 0, s % 8]],
                             rbuf, sem)

        def drain_gather(rbuf, sem):
            pltpu.make_async_copy(table_hbm.at[pl.ds(0, _L)], rbuf,
                                  sem).wait()

        def transpose(rbuf, tbuf):
            @plsc.parallel_loop(0, _L, unroll=8)
            def _(n):
                lane = jnp.full((16,), n, jnp.int32)
                for k in range(D // 16):
                    v = rbuf[n, pl.ds(k * 16, 16)]
                    plsc.store_scatter(tbuf, [dts[k], zero16, drs[k], lane],
                                       v)

        def fire_write(s, tbuf, sem):
            pltpu.async_copy(tbuf.at[:, :, :, pl.ds(0, _L)],
                             out_hbm.at[s, :, pl.ds(wid, 1)], sem)

        def drain_write(tbuf, sem):
            pltpu.make_async_copy(tbuf.at[:, :, :, pl.ds(0, _L)],
                                  out_hbm.at[0, :, pl.ds(wid, 1)],
                                  sem).wait()

        rs = [r0, r1, r2, r3]
        gs = [g0, g1, g2, g3]
        ts = [t0, t1]
        ws = [w0, w1]

        fire_gather(0, r0, g0)
        fire_gather(1, r1, g1)
        fire_gather(2, r2, g2)

        @pl.loop(0, S, step=4)
        def _(s):
            for j in range(4):
                sb = s + j

                @pl.when(sb + 3 < S)
                def _():
                    fire_gather(sb + 3, rs[(j + 3) % 4], gs[(j + 3) % 4])

                drain_gather(rs[j], gs[j])

                @pl.when(sb >= 2)
                def _():
                    drain_write(ts[j % 2], ws[j % 2])

                transpose(rs[j], ts[j % 2])
                fire_write(sb, ts[j % 2], ws[j % 2])

        drain_write(t0, w0)
        drain_write(t1, w1)

    return gather_kernel


def kernel(idx, pe):
    N, S = idx.shape
    V, D = pe.shape
    idx_t = (idx.astype(jnp.int32)
             .reshape(N // _L, _L, S // 8, 8)
             .transpose(2, 0, 3, 1))
    out5 = _build(N, S, V, D)(idx_t, pe)
    return out5.transpose(2, 4, 0, 1, 3).reshape(N, S, D)

# --- scband reference (transcript-rebuilt; emitter-appended) ---
"""Pipeline reference for scband-time-embedding-2525440770135 (READ-ONLY COPY).

The authoritative reference and input builder live on the scoring server;
editing this copy changes nothing except your own understanding.
"""

import jax, jax.numpy as jnp
import numpy as np

MAX_MONTHS = 100000
DIM = 64

def _build_pe(max_months, dim):
    pos = jnp.arange(0, max_months, dtype=jnp.float32)[:, None]
    i = jnp.arange(0, dim, 2, dtype=jnp.float32)
    div = 10000.0 ** (2.0 * i / dim)
    pe = jnp.zeros((max_months, dim), dtype=jnp.float32)
    pe = pe.at[:, 0::2].set(jnp.sin(pos / div))
    pe = pe.at[:, 1::2].set(jnp.cos(pos / div))
    return pe

def setup_inputs(seed: int = 0) -> dict:
    key = jax.random.key(seed)
    idx = jax.random.randint(key, (4096, 200), 0, MAX_MONTHS, dtype=jnp.int64) if jax.config.jax_enable_x64 else jax.random.randint(key, (4096, 200), 0, MAX_MONTHS, dtype=jnp.int32)
    pe = _build_pe(MAX_MONTHS, DIM)
    return {"idx": idx, "pe": pe}

def reference(idx, pe):
    # TimeEmbedding.forward: gather rows of the sinusoidal table
    return pe[idx]

if __name__ == "__main__":
    import jax
    _d = setup_inputs()
    print(jax.jit(kernel)(*tuple(_d.values())))

</pallas_src>

<mosaic_0001>
#map = affine_map<(d0, d1) -> (0, 0, 0, 0)>
#map1 = affine_map<(d0, d1) -> (0, 0)>
#map2 = affine_map<(d0, d1) -> (0, 0, 0, 0, 0)>
module attributes {stable_mosaic.version = 14 : i64} {
  func.func @gather_kernel(%arg0: i32, %arg1: i32, %arg2: memref<25x32x8x128xi32, #tpu.memory_space<hbm>>, %arg3: memref<100000x64xf32, #tpu.memory_space<hbm>>, %arg4: memref<200x8x32x8x128xf32, #tpu.memory_space<hbm>>, %arg5: memref<25x1x8x128xi32, #tpu.memory_space<vmem>>, %arg6: memref<128x64xf32, #tpu.memory_space<vmem>>, %arg7: memref<128x64xf32, #tpu.memory_space<vmem>>, %arg8: memref<128x64xf32, #tpu.memory_space<vmem>>, %arg9: memref<128x64xf32, #tpu.memory_space<vmem>>, %arg10: memref<8x1x8x129xf32, #tpu.memory_space<vmem>>, %arg11: memref<8x1x8x129xf32, #tpu.memory_space<vmem>>, %arg12: memref<!tpu.dma_semaphore, #tpu.memory_space<semaphore_mem>>, %arg13: memref<!tpu.dma_semaphore, #tpu.memory_space<semaphore_mem>>, %arg14: memref<!tpu.dma_semaphore, #tpu.memory_space<semaphore_mem>>, %arg15: memref<!tpu.dma_semaphore, #tpu.memory_space<semaphore_mem>>, %arg16: memref<!tpu.dma_semaphore, #tpu.memory_space<semaphore_mem>>, %arg17: memref<!tpu.dma_semaphore, #tpu.memory_space<semaphore_mem>>) attributes {dimension_semantics = [#tpu.dimension_semantics<core_parallel>, #tpu.dimension_semantics<subcore_parallel>], iteration_bounds = array<i64: 2, 16>, scalar_prefetch = 0 : i64, scratch_operands = 13 : i64, tpu.core_type = #tpu.core_type<sc_vector_subcore>, window_params = [{transform_indices = #map}, {transform_indices = #map1}, {transform_indices = #map2}]} {
    %mul3A = arith.constant 2 : i32
    %mul3A_0 = arith.muli %arg1, %mul3A : i32
    %add3A = arith.addi %mul3A_0, %arg0 : i32
    "tpu.region"() ({
      %run_scoped3A = tpu.sem_alloc : memref<!tpu.dma_semaphore, #tpu.memory_space<semaphore_mem>>
      %dma_start3A_225 = arith.constant 0 : i32
      %dma_start3A_226 = arith.constant 0 : i32
      %dma_start3A_227 = arith.constant 0 : i32
      %dma_start3A_228 = tpu.memref_slice %arg2[%dma_start3A_225, %add3A, %dma_start3A_226, %dma_start3A_227] : memref<25x32x8x128xi32, #tpu.memory_space<hbm>> -> memref<25x1x8x128xi32, #tpu.memory_space<hbm>>
      %dma_start3A_229 = arith.constant 0 : i32
      %dma_start3A_230 = arith.constant 0 : i32
      %dma_start3A_231 = arith.constant 0 : i32
      %dma_start3A_232 = tpu.memref_slice %arg2[%dma_start3A_229, %add3A, %dma_start3A_230, %dma_start3A_231] : memref<25x32x8x128xi32, #tpu.memory_space<hbm>> -> memref<25x1x8x128xi32, #tpu.memory_space<hbm>>
      tpu.enqueue_dma source(%dma_start3A_232 : memref<25x1x8x128xi32, #tpu.memory_space<hbm>>) target(%arg5 : memref<25x1x8x128xi32, #tpu.memory_space<vmem>>) target_semaphore(%run_scoped3A : memref<!tpu.dma_semaphore, #tpu.memory_space<semaphore_mem>>)
      %dma_wait3A_233 = arith.constant 0 : i32
      %dma_wait3A_234 = arith.constant 0 : i32
      %dma_wait3A_235 = arith.constant 0 : i32
      %dma_wait3A_236 = tpu.memref_slice %arg2[%dma_wait3A_233, %add3A, %dma_wait3A_234, %dma_wait3A_235] : memref<25x32x8x128xi32, #tpu.memory_space<hbm>> -> memref<25x1x8x128xi32, #tpu.memory_space<hbm>>
      %dma_wait3A_237 = arith.constant 0 : i32
      %dma_wait3A_238 = arith.constant 0 : i32
      %dma_wait3A_239 = arith.constant 0 : i32
      %dma_wait3A_240 = tpu.memref_slice %arg2[%dma_wait3A_237, %add3A, %dma_wait3A_238, %dma_wait3A_239] : memref<25x32x8x128xi32, #tpu.memory_space<hbm>> -> memref<25x1x8x128xi32, #tpu.memory_space<hbm>>
      tpu.wait_dma2 semaphore(%run_scoped3A : memref<!tpu.dma_semaphore, #tpu.memory_space<semaphore_mem>>) src(%dma_wait3A_240 : memref<25x1x8x128xi32, #tpu.memory_space<hbm>>) dst(%arg5 : memref<25x1x8x128xi32, #tpu.memory_space<vmem>>)
      tpu.yield
    }) : () -> ()
    %iota3A = tpu.iota {dimensions = array<i32: 0>} : vector<16xi32>
    %broadcast_in_dim3A = arith.constant 0 : i32
    %broadcast_in_dim3A_1 = vector.broadcast %broadcast_in_dim3A : i32 to vector<16xi32>
    %add3A_2 = arith.constant 0 : i32
    %add3A_3 = vector.broadcast %add3A_2 : i32 to vector<16xi32>
    %add3A_4 = arith.addi %iota3A, %add3A_3 : vector<16xi32>
    %jit3A = arith.constant 8 : i32
    %div3A = vector.broadcast %jit3A : i32 to vector<16xi32>
    %div3A_5 = arith.divsi %add3A_4, %div3A : vector<16xi32>
    %sign3A = arith.constant 0 : i32
    %sign3A_6 = vector.broadcast %sign3A : i32 to vector<16xi32>
    %sign3A_7 = arith.cmpi sgt, %add3A_4, %sign3A_6 : vector<16xi32>
    %sign3A_8 = arith.extui %sign3A_7 : vector<16xi1> to vector<16xi32>
    %sign3A_9 = arith.constant 0 : i32
    %sign3A_10 = vector.broadcast %sign3A_9 : i32 to vector<16xi32>
    %sign3A_11 = arith.cmpi slt, %add3A_4, %sign3A_10 : vector<16xi32>
    %sign3A_12 = arith.extui %sign3A_11 : vector<16xi1> to vector<16xi32>
    %sign3A_13 = arith.subi %sign3A_8, %sign3A_12 : vector<16xi32>
    %sign3A_14 = arith.constant 0 : i32
    %sign3A_15 = arith.cmpi sgt, %jit3A, %sign3A_14 : i32
    %sign3A_16 = arith.extui %sign3A_15 : i1 to i32
    %sign3A_17 = arith.constant 0 : i32
    %sign3A_18 = arith.cmpi slt, %jit3A, %sign3A_17 : i32
    %sign3A_19 = arith.extui %sign3A_18 : i1 to i32
    %sign3A_20 = arith.subi %sign3A_16, %sign3A_19 : i32
    %ne3A = vector.broadcast %sign3A_20 : i32 to vector<16xi32>
    %ne3A_21 = arith.cmpi ne, %sign3A_13, %ne3A : vector<16xi32>
    %rem3A = vector.broadcast %jit3A : i32 to vector<16xi32>
    %rem3A_22 = arith.remsi %add3A_4, %rem3A : vector<16xi32>
    %ne3A_23 = arith.constant 0 : i32
    %ne3A_24 = vector.broadcast %ne3A_23 : i32 to vector<16xi32>
    %ne3A_25 = arith.cmpi ne, %rem3A_22, %ne3A_24 : vector<16xi32>
    %and3A = arith.andi %ne3A_21, %ne3A_25 : vector<16xi1>
    %sub3A = arith.constant 1 : i32
    %sub3A_26 = vector.broadcast %sub3A : i32 to vector<16xi32>
    %sub3A_27 = arith.subi %div3A_5, %sub3A_26 : vector<16xi32>
    %select_n3A = arith.select %and3A, %sub3A_27, %div3A_5 : vector<16xi1>, vector<16xi32>
    %add3A_28 = arith.constant 16 : i32
    %add3A_29 = vector.broadcast %add3A_28 : i32 to vector<16xi32>
    %add3A_30 = arith.addi %iota3A, %add3A_29 : vector<16xi32>
    %jit3A_31 = arith.constant 8 : i32
    %div3A_32 = vector.broadcast %jit3A_31 : i32 to vector<16xi32>
    %div3A_33 = arith.divsi %add3A_30, %div3A_32 : vector<16xi32>
    %sign3A_34 = arith.constant 0 : i32
    %sign3A_35 = vector.broadcast %sign3A_34 : i32 to vector<16xi32>
    %sign3A_36 = arith.cmpi sgt, %add3A_30, %sign3A_35 : vector<16xi32>
    %sign3A_37 = arith.extui %sign3A_36 : vector<16xi1> to vector<16xi32>
    %sign3A_38 = arith.constant 0 : i32
    %sign3A_39 = vector.broadcast %sign3A_38 : i32 to vector<16xi32>
    %sign3A_40 = arith.cmpi slt, %add3A_30, %sign3A_39 : vector<16xi32>
    %sign3A_41 = arith.extui %sign3A_40 : vector<16xi1> to vector<16xi32>
    %sign3A_42 = arith.subi %sign3A_37, %sign3A_41 : vector<16xi32>
    %sign3A_43 = arith.constant 0 : i32
    %sign3A_44 = arith.cmpi sgt, %jit3A_31, %sign3A_43 : i32
    %sign3A_45 = arith.extui %sign3A_44 : i1 to i32
    %sign3A_46 = arith.constant 0 : i32
    %sign3A_47 = arith.cmpi slt, %jit3A_31, %sign3A_46 : i32
    %sign3A_48 = arith.extui %sign3A_47 : i1 to i32
    %sign3A_49 = arith.subi %sign3A_45, %sign3A_48 : i32
    %ne3A_50 = vector.broadcast %sign3A_49 : i32 to vector<16xi32>
    %ne3A_51 = arith.cmpi ne, %sign3A_42, %ne3A_50 : vector<16xi32>
    %rem3A_52 = vector.broadcast %jit3A_31 : i32 to vector<16xi32>
    %rem3A_53 = arith.remsi %add3A_30, %rem3A_52 : vector<16xi32>
    %ne3A_54 = arith.constant 0 : i32
    %ne3A_55 = vector.broadcast %ne3A_54 : i32 to vector<16xi32>
    %ne3A_56 = arith.cmpi ne, %rem3A_53, %ne3A_55 : vector<16xi32>
    %and3A_57 = arith.andi %ne3A_51, %ne3A_56 : vector<16xi1>
    %sub3A_58 = arith.constant 1 : i32
    %sub3A_59 = vector.broadcast %sub3A_58 : i32 to vector<16xi32>
    %sub3A_60 = arith.subi %div3A_33, %sub3A_59 : vector<16xi32>
    %select_n3A_61 = arith.select %and3A_57, %sub3A_60, %div3A_33 : vector<16xi1>, vector<16xi32>
    %add3A_62 = arith.constant 32 : i32
    %add3A_63 = vector.broadcast %add3A_62 : i32 to vector<16xi32>
    %add3A_64 = arith.addi %iota3A, %add3A_63 : vector<16xi32>
    %jit3A_65 = arith.constant 8 : i32
    %div3A_66 = vector.broadcast %jit3A_65 : i32 to vector<16xi32>
    %div3A_67 = arith.divsi %add3A_64, %div3A_66 : vector<16xi32>
    %sign3A_68 = arith.constant 0 : i32
    %sign3A_69 = vector.broadcast %sign3A_68 : i32 to vector<16xi32>
    %sign3A_70 = arith.cmpi sgt, %add3A_64, %sign3A_69 : vector<16xi32>
    %sign3A_71 = arith.extui %sign3A_70 : vector<16xi1> to vector<16xi32>
    %sign3A_72 = arith.constant 0 : i32
    %sign3A_73 = vector.broadcast %sign3A_72 : i32 to vector<16xi32>
    %sign3A_74 = arith.cmpi slt, %add3A_64, %sign3A_73 : vector<16xi32>
    %sign3A_75 = arith.extui %sign3A_74 : vector<16xi1> to vector<16xi32>
    %sign3A_76 = arith.subi %sign3A_71, %sign3A_75 : vector<16xi32>
    %sign3A_77 = arith.constant 0 : i32
    %sign3A_78 = arith.cmpi sgt, %jit3A_65, %sign3A_77 : i32
    %sign3A_79 = arith.extui %sign3A_78 : i1 to i32
    %sign3A_80 = arith.constant 0 : i32
    %sign3A_81 = arith.cmpi slt, %jit3A_65, %sign3A_80 : i32
    %sign3A_82 = arith.extui %sign3A_81 : i1 to i32
    %sign3A_83 = arith.subi %sign3A_79, %sign3A_82 : i32
    %ne3A_84 = vector.broadcast %sign3A_83 : i32 to vector<16xi32>
    %ne3A_85 = arith.cmpi ne, %sign3A_76, %ne3A_84 : vector<16xi32>
    %rem3A_86 = vector.broadcast %jit3A_65 : i32 to vector<16xi32>
    %rem3A_87 = arith.remsi %add3A_64, %rem3A_86 : vector<16xi32>
    %ne3A_88 = arith.constant 0 : i32
    %ne3A_89 = vector.broadcast %ne3A_88 : i32 to vector<16xi32>
    %ne3A_90 = arith.cmpi ne, %rem3A_87, %ne3A_89 : vector<16xi32>
    %and3A_91 = arith.andi %ne3A_85, %ne3A_90 : vector<16xi1>
    %sub3A_92 = arith.constant 1 : i32
    %sub3A_93 = vector.broadcast %sub3A_92 : i32 to vector<16xi32>
    %sub3A_94 = arith.subi %div3A_67, %sub3A_93 : vector<16xi32>
    %select_n3A_95 = arith.select %and3A_91, %sub3A_94, %div3A_67 : vector<16xi1>, vector<16xi32>
    %add3A_96 = arith.constant 48 : i32
    %add3A_97 = vector.broadcast %add3A_96 : i32 to vector<16xi32>
    %add3A_98 = arith.addi %iota3A, %add3A_97 : vector<16xi32>
    %jit3A_99 = arith.constant 8 : i32
    %div3A_100 = vector.broadcast %jit3A_99 : i32 to vector<16xi32>
    %div3A_101 = arith.divsi %add3A_98, %div3A_100 : vector<16xi32>
    %sign3A_102 = arith.constant 0 : i32
    %sign3A_103 = vector.broadcast %sign3A_102 : i32 to vector<16xi32>
    %sign3A_104 = arith.cmpi sgt, %add3A_98, %sign3A_103 : vector<16xi32>
    %sign3A_105 = arith.extui %sign3A_104 : vector<16xi1> to vector<16xi32>
    %sign3A_106 = arith.constant 0 : i32
    %sign3A_107 = vector.broadcast %sign3A_106 : i32 to vector<16xi32>
    %sign3A_108 = arith.cmpi slt, %add3A_98, %sign3A_107 : vector<16xi32>
    %sign3A_109 = arith.extui %sign3A_108 : vector<16xi1> to vector<16xi32>
    %sign3A_110 = arith.subi %sign3A_105, %sign3A_109 : vector<16xi32>
    %sign3A_111 = arith.constant 0 : i32
    %sign3A_112 = arith.cmpi sgt, %jit3A_99, %sign3A_111 : i32
    %sign3A_113 = arith.extui %sign3A_112 : i1 to i32
    %sign3A_114 = arith.constant 0 : i32
    %sign3A_115 = arith.cmpi slt, %jit3A_99, %sign3A_114 : i32
    %sign3A_116 = arith.extui %sign3A_115 : i1 to i32
    %sign3A_117 = arith.subi %sign3A_113, %sign3A_116 : i32
    %ne3A_118 = vector.broadcast %sign3A_117 : i32 to vector<16xi32>
    %ne3A_119 = arith.cmpi ne, %sign3A_110, %ne3A_118 : vector<16xi32>
    %rem3A_120 = vector.broadcast %jit3A_99 : i32 to vector<16xi32>
    %rem3A_121 = arith.remsi %add3A_98, %rem3A_120 : vector<16xi32>
    %ne3A_122 = arith.constant 0 : i32
    %ne3A_123 = vector.broadcast %ne3A_122 : i32 to vector<16xi32>
    %ne3A_124 = arith.cmpi ne, %rem3A_121, %ne3A_123 : vector<16xi32>
    %and3A_125 = arith.andi %ne3A_119, %ne3A_124 : vector<16xi1>
    %sub3A_126 = arith.constant 1 : i32
    %sub3A_127 = vector.broadcast %sub3A_126 : i32 to vector<16xi32>
    %sub3A_128 = arith.subi %div3A_101, %sub3A_127 : vector<16xi32>
    %select_n3A_129 = arith.select %and3A_125, %sub3A_128, %div3A_101 : vector<16xi1>, vector<16xi32>
    %add3A_130 = arith.constant 0 : i32
    %add3A_131 = vector.broadcast %add3A_130 : i32 to vector<16xi32>
    %add3A_132 = arith.addi %iota3A, %add3A_131 : vector<16xi32>
    %rem3A_133 = arith.constant 8 : i32
    %rem3A_134 = vector.broadcast %rem3A_133 : i32 to vector<16xi32>
    %rem3A_135 = arith.remsi %add3A_132, %rem3A_134 : vector<16xi32>
    %add3A_136 = arith.constant 16 : i32
    %add3A_137 = vector.broadcast %add3A_136 : i32 to vector<16xi32>
    %add3A_138 = arith.addi %iota3A, %add3A_137 : vector<16xi32>
    %rem3A_139 = arith.constant 8 : i32
    %rem3A_140 = vector.broadcast %rem3A_139 : i32 to vector<16xi32>
    %rem3A_141 = arith.remsi %add3A_138, %rem3A_140 : vector<16xi32>
    %add3A_142 = arith.constant 32 : i32
    %add3A_143 = vector.broadcast %add3A_142 : i32 to vector<16xi32>
    %add3A_144 = arith.addi %iota3A, %add3A_143 : vector<16xi32>
    %rem3A_145 = arith.constant 8 : i32
    %rem3A_146 = vector.broadcast %rem3A_145 : i32 to vector<16xi32>
    %rem3A_147 = arith.remsi %add3A_144, %rem3A_146 : vector<16xi32>
    %add3A_148 = arith.constant 48 : i32
    %add3A_149 = vector.broadcast %add3A_148 : i32 to vector<16xi32>
    %add3A_150 = arith.addi %iota3A, %add3A_149 : vector<16xi32>
    %rem3A_151 = arith.constant 8 : i32
    %rem3A_152 = vector.broadcast %rem3A_151 : i32 to vector<16xi32>
    %rem3A_153 = arith.remsi %add3A_150, %rem3A_152 : vector<16xi32>
    %dma_start3A = arith.constant 0 : i32
    %dma_start3A_154 = arith.constant 0 : i32
    %dma_start3A_155 = arith.constant 0 : i32
    %dma_start3A_156 = arith.constant 0 : i32
    %dma_start3A_157 = tpu.memref_slice %arg5[%dma_start3A, %dma_start3A_154, %dma_start3A_155, %dma_start3A_156] : memref<25x1x8x128xi32, #tpu.memory_space<vmem>> -> memref<1x1x1x128xi32, #tpu.memory_space<vmem>>
    %dma_start3A_158 = tpu.memref_squeeze %dma_start3A_157 : memref<1x1x1x128xi32, #tpu.memory_space<vmem>> -> memref<128xi32, #tpu.memory_space<vmem>>
    %dma_start3A_159 = arith.constant 0 : i32
    %dma_start3A_160 = arith.constant 0 : i32
    %dma_start3A_161 = tpu.memref_slice %arg3[%dma_start3A_159, %dma_start3A_160] : memref<100000x64xf32, #tpu.memory_space<hbm>> -> memref<100000x64xf32, #tpu.memory_space<hbm>>
    tpu.enqueue_indirect_dma source(%dma_start3A_161 : memref<100000x64xf32, #tpu.memory_space<hbm>>) target(%arg6 : memref<128x64xf32, #tpu.memory_space<vmem>>) offsets(%dma_start3A_158 : memref<128xi32, #tpu.memory_space<vmem>>) semaphore(%arg12 : memref<!tpu.dma_semaphore, #tpu.memory_space<semaphore_mem>>)
    %dma_start3A_162 = arith.constant 0 : i32
    %dma_start3A_163 = arith.constant 0 : i32
    %dma_start3A_164 = arith.constant 1 : i32
    %dma_start3A_165 = arith.constant 0 : i32
    %dma_start3A_166 = tpu.memref_slice %arg5[%dma_start3A_162, %dma_start3A_163, %dma_start3A_164, %dma_start3A_165] : memref<25x1x8x128xi32, #tpu.memory_space<vmem>> -> memref<1x1x1x128xi32, #tpu.memory_space<vmem>>
    %dma_start3A_167 = tpu.memref_squeeze %dma_start3A_166 : memref<1x1x1x128xi32, #tpu.memory_space<vmem>> -> memref<128xi32, #tpu.memory_space<vmem>>
    %dma_start3A_168 = arith.constant 0 : i32
    %dma_start3A_169 = arith.constant 0 : i32
    %dma_start3A_170 = tpu.memref_slice %arg3[%dma_start3A_168, %dma_start3A_169] : memref<100000x64xf32, #tpu.memory_space<hbm>> -> memref<100000x64xf32, #tpu.memory_space<hbm>>
    tpu.enqueue_indirect_dma source(%dma_start3A_170 : memref<100000x64xf32, #tpu.memory_space<hbm>>) target(%arg7 : memref<128x64xf32, #tpu.memory_space<vmem>>) offsets(%dma_start3A_167 : memref<128xi32, #tpu.memory_space<vmem>>) semaphore(%arg13 : memref<!tpu.dma_semaphore, #tpu.memory_space<semaphore_mem>>)
    %dma_start3A_171 = arith.constant 0 : i32
    %dma_start3A_172 = arith.constant 0 : i32
    %dma_start3A_173 = arith.constant 2 : i32
    %dma_start3A_174 = arith.constant 0 : i32
    %dma_start3A_175 = tpu.memref_slice %arg5[%dma_start3A_171, %dma_start3A_172, %dma_start3A_173, %dma_start3A_174] : memref<25x1x8x128xi32, #tpu.memory_space<vmem>> -> memref<1x1x1x128xi32, #tpu.memory_space<vmem>>
    %dma_start3A_176 = tpu.memref_squeeze %dma_start3A_175 : memref<1x1x1x128xi32, #tpu.memory_space<vmem>> -> memref<128xi32, #tpu.memory_space<vmem>>
    %dma_start3A_177 = arith.constant 0 : i32
    %dma_start3A_178 = arith.constant 0 : i32
    %dma_start3A_179 = tpu.memref_slice %arg3[%dma_start3A_177, %dma_start3A_178] : memref<100000x64xf32, #tpu.memory_space<hbm>> -> memref<100000x64xf32, #tpu.memory_space<hbm>>
    tpu.enqueue_indirect_dma source(%dma_start3A_179 : memref<100000x64xf32, #tpu.memory_space<hbm>>) target(%arg8 : memref<128x64xf32, #tpu.memory_space<vmem>>) offsets(%dma_start3A_176 : memref<128xi32, #tpu.memory_space<vmem>>) semaphore(%arg14 : memref<!tpu.dma_semaphore, #tpu.memory_space<semaphore_mem>>)
    %scan3A = arith.constant 0 : i32
    %scan3A_180 = arith.constant 50 : i32
    %scan3A_181 = arith.addi %scan3A, %scan3A_180 : i32
    %scan3A_182 = arith.constant 1 : i32
    scf.for %scan3A_225 = %scan3A to %scan3A_181 step %scan3A_182  : i32 {
      %mul3A_226 = arith.constant 4 : i32
      %mul3A_227 = arith.muli %scan3A_225, %mul3A_226 : i32
      %add3A_228 = arith.constant 0 : i32
      %add3A_229 = arith.addi %add3A_228, %mul3A_227 : i32
      %add3A_230 = arith.constant 0 : i32
      %add3A_231 = arith.addi %add3A_229, %add3A_230 : i32
      %add3A_232 = arith.constant 3 : i32
      %add3A_233 = arith.addi %add3A_231, %add3A_232 : i32
      %lt3A = arith.constant 200 : i32
      %lt3A_234 = arith.cmpi slt, %add3A_233, %lt3A : i32
      %convert_element_type3A = arith.extui %lt3A_234 : i1 to i32
      %cond3A = arith.constant 0 : i32
      %cond3A_235 = arith.cmpi ne, %convert_element_type3A, %cond3A : i32
      scf.if %cond3A_235 {
        %add3A_397 = arith.constant 3 : i32
        %add3A_398 = arith.addi %add3A_231, %add3A_397 : i32
        %jit3A_399 = arith.constant 8 : i32
        %div3A_400 = arith.divsi %add3A_398, %jit3A_399 : i32
        %sign3A_401 = arith.constant 0 : i32
        %sign3A_402 = arith.cmpi sgt, %add3A_398, %sign3A_401 : i32
        %sign3A_403 = arith.extui %sign3A_402 : i1 to i32
        %sign3A_404 = arith.constant 0 : i32
        %sign3A_405 = arith.cmpi slt, %add3A_398, %sign3A_404 : i32
        %sign3A_406 = arith.extui %sign3A_405 : i1 to i32
        %sign3A_407 = arith.subi %sign3A_403, %sign3A_406 : i32
        %sign3A_408 = arith.constant 0 : i32
        %sign3A_409 = arith.cmpi sgt, %jit3A_399, %sign3A_408 : i32
        %sign3A_410 = arith.extui %sign3A_409 : i1 to i32
        %sign3A_411 = arith.constant 0 : i32
        %sign3A_412 = arith.cmpi slt, %jit3A_399, %sign3A_411 : i32
        %sign3A_413 = arith.extui %sign3A_412 : i1 to i32
        %sign3A_414 = arith.subi %sign3A_410, %sign3A_413 : i32
        %ne3A_415 = arith.cmpi ne, %sign3A_407, %sign3A_414 : i32
        %rem3A_416 = arith.remsi %add3A_398, %jit3A_399 : i32
        %ne3A_417 = arith.constant 0 : i32
        %ne3A_418 = arith.cmpi ne, %rem3A_416, %ne3A_417 : i32
        %and3A_419 = arith.andi %ne3A_415, %ne3A_418 : i1
        %sub3A_420 = arith.constant 1 : i32
        %sub3A_421 = arith.subi %div3A_400, %sub3A_420 : i32
        %select_n3A_422 = arith.select %and3A_419, %sub3A_421, %div3A_400 : i32
        %jit3A_423 = arith.constant 8 : i32
        %eq3A = arith.constant 0 : i32
        %eq3A_424 = arith.cmpi eq, %jit3A_423, %eq3A : i32
        %jit3A_425 = arith.constant 1 : i32
        %select_n3A_426 = arith.select %eq3A_424, %jit3A_425, %jit3A_423 : i32
        %rem3A_427 = arith.remsi %add3A_398, %select_n3A_426 : i32
        %ne3A_428 = arith.constant 0 : i32
        %ne3A_429 = arith.cmpi ne, %rem3A_427, %ne3A_428 : i32
        %lt3A_430 = arith.constant 0 : i32
        %lt3A_431 = arith.cmpi slt, %rem3A_427, %lt3A_430 : i32
        %lt3A_432 = arith.constant 0 : i32
        %lt3A_433 = arith.cmpi slt, %select_n3A_426, %lt3A_432 : i32
        %ne3A_434 = arith.xori %lt3A_431, %lt3A_433 : i1
        %and3A_435 = arith.andi %ne3A_434, %ne3A_429 : i1
        %add3A_436 = arith.addi %rem3A_427, %select_n3A_426 : i32
        %select_n3A_437 = arith.select %and3A_435, %add3A_436, %rem3A_427 : i32
        %dma_start3A_438 = arith.constant 0 : i32
        %dma_start3A_439 = arith.constant 0 : i32
        %dma_start3A_440 = tpu.memref_slice %arg5[%select_n3A_422, %dma_start3A_438, %select_n3A_437, %dma_start3A_439] : memref<25x1x8x128xi32, #tpu.memory_space<vmem>> -> memref<1x1x1x128xi32, #tpu.memory_space<vmem>>
        %dma_start3A_441 = tpu.memref_squeeze %dma_start3A_440 : memref<1x1x1x128xi32, #tpu.memory_space<vmem>> -> memref<128xi32, #tpu.memory_space<vmem>>
        %dma_start3A_442 = arith.constant 0 : i32
        %dma_start3A_443 = arith.constant 0 : i32
        %dma_start3A_444 = tpu.memref_slice %arg3[%dma_start3A_442, %dma_start3A_443] : memref<100000x64xf32, #tpu.memory_space<hbm>> -> memref<100000x64xf32, #tpu.memory_space<hbm>>
        tpu.enqueue_indirect_dma source(%dma_start3A_444 : memref<100000x64xf32, #tpu.memory_space<hbm>>) target(%arg9 : memref<128x64xf32, #tpu.memory_space<vmem>>) offsets(%dma_start3A_441 : memref<128xi32, #tpu.memory_space<vmem>>) semaphore(%arg15 : memref<!tpu.dma_semaphore, #tpu.memory_space<semaphore_mem>>)
      } else {
      }
      %dma_wait3A_236 = arith.constant 0 : i32
      %dma_wait3A_237 = arith.constant 0 : i32
      %dma_wait3A_238 = tpu.memref_slice %arg3[%dma_wait3A_236, %dma_wait3A_237] : memref<100000x64xf32, #tpu.memory_space<hbm>> -> memref<128x64xf32, #tpu.memory_space<hbm>>
      %dma_wait3A_239 = arith.constant 0 : i32
      %dma_wait3A_240 = arith.constant 0 : i32
      %dma_wait3A_241 = tpu.memref_slice %arg3[%dma_wait3A_239, %dma_wait3A_240] : memref<100000x64xf32, #tpu.memory_space<hbm>> -> memref<128x64xf32, #tpu.memory_space<hbm>>
      tpu.wait_dma2 semaphore(%arg12 : memref<!tpu.dma_semaphore, #tpu.memory_space<semaphore_mem>>) src(%dma_wait3A_241 : memref<128x64xf32, #tpu.memory_space<hbm>>) dst(%arg6 : memref<128x64xf32, #tpu.memory_space<vmem>>)
      %ge3A = arith.constant 2 : i32
      %ge3A_242 = arith.cmpi sge, %add3A_231, %ge3A : i32
      %convert_element_type3A_243 = arith.extui %ge3A_242 : i1 to i32
      %cond3A_244 = arith.constant 0 : i32
      %cond3A_245 = arith.cmpi ne, %convert_element_type3A_243, %cond3A_244 : i32
      scf.if %cond3A_245 {
        %dma_wait3A_397 = arith.constant 0 : i32
        %dma_wait3A_398 = arith.constant 0 : i32
        %dma_wait3A_399 = arith.constant 0 : i32
        %dma_wait3A_400 = arith.constant 0 : i32
        %dma_wait3A_401 = arith.constant 0 : i32
        %dma_wait3A_402 = tpu.memref_slice %arg10[%dma_wait3A_398, %dma_wait3A_399, %dma_wait3A_400, %dma_wait3A_401] : memref<8x1x8x129xf32, #tpu.memory_space<vmem>> -> memref<8x1x8x128xf32, #tpu.memory_space<vmem>>
        %dma_wait3A_403 = arith.constant 0 : i32
        %dma_wait3A_404 = arith.constant 0 : i32
        %dma_wait3A_405 = arith.constant 0 : i32
        %dma_wait3A_406 = tpu.memref_slice %arg4[%dma_wait3A_397, %dma_wait3A_403, %add3A, %dma_wait3A_404, %dma_wait3A_405] : memref<200x8x32x8x128xf32, #tpu.memory_space<hbm>> -> memref<1x8x1x8x128xf32, #tpu.memory_space<hbm>>
        %dma_wait3A_407 = tpu.memref_squeeze %dma_wait3A_406 : memref<1x8x1x8x128xf32, #tpu.memory_space<hbm>> -> memref<8x1x8x128xf32, #tpu.memory_space<hbm>>
        %dma_wait3A_408 = arith.constant 0 : i32
        %dma_wait3A_409 = arith.constant 0 : i32
        %dma_wait3A_410 = arith.constant 0 : i32
        %dma_wait3A_411 = tpu.memref_slice %arg4[%dma_wait3A_397, %dma_wait3A_408, %add3A, %dma_wait3A_409, %dma_wait3A_410] : memref<200x8x32x8x128xf32, #tpu.memory_space<hbm>> -> memref<1x8x1x8x128xf32, #tpu.memory_space<hbm>>
        %dma_wait3A_412 = tpu.memref_squeeze %dma_wait3A_411 : memref<1x8x1x8x128xf32, #tpu.memory_space<hbm>> -> memref<8x1x8x128xf32, #tpu.memory_space<hbm>>
        %dma_wait3A_413 = arith.constant 0 : i32
        %dma_wait3A_414 = arith.constant 0 : i32
        %dma_wait3A_415 = arith.constant 0 : i32
        %dma_wait3A_416 = arith.constant 0 : i32
        %dma_wait3A_417 = tpu.memref_slice %arg10[%dma_wait3A_413, %dma_wait3A_414, %dma_wait3A_415, %dma_wait3A_416] : memref<8x1x8x129xf32, #tpu.memory_space<vmem>> -> memref<8x1x8x128xf32, #tpu.memory_space<vmem>>
        tpu.wait_dma2 semaphore(%arg16 : memref<!tpu.dma_semaphore, #tpu.memory_space<semaphore_mem>>) src(%dma_wait3A_417 : memref<8x1x8x128xf32, #tpu.memory_space<vmem>>) dst(%dma_wait3A_412 : memref<8x1x8x128xf32, #tpu.memory_space<hbm>>)
      } else {
      }
      %parallel_loop3A = arith.constant 0 : i32
      %parallel_loop3A_246 = arith.constant 128 : i32
      %parallel_loop3A_247 = arith.constant 1 : i32
      scf.for %parallel_loop3A_397 = %parallel_loop3A to %parallel_loop3A_246 step %parallel_loop3A_247  : i32 {
        %parallel_loop3A_398 = vector.broadcast %parallel_loop3A_397 : i32 to vector<16xi32>
        %parallel_loop3A_399 = arith.index_cast %parallel_loop3A_397 : i32 to index
        %parallel_loop3A_400 = arith.constant 0 : index
        %parallel_loop3A_401 = tpu.vector_load %arg6[%parallel_loop3A_399, %parallel_loop3A_400] {strides = array<i32>} : memref<128x64xf32, #tpu.memory_space<vmem>>, vector<16xf32>,
        tpu.vector_store_idx %arg10[%select_n3A, %broadcast_in_dim3A_1, %rem3A_135, %parallel_loop3A_398], %parallel_loop3A_401 : memref<8x1x8x129xf32, #tpu.memory_space<vmem>>[vector<16xi32>, vector<16xi32>, vector<16xi32>, vector<16xi32>], vector<16xf32>,
        %parallel_loop3A_402 = arith.index_cast %parallel_loop3A_397 : i32 to index
        %parallel_loop3A_403 = arith.constant 16 : index
        %parallel_loop3A_404 = tpu.vector_load %arg6[%parallel_loop3A_402, %parallel_loop3A_403] {strides = array<i32>} : memref<128x64xf32, #tpu.memory_space<vmem>>, vector<16xf32>,
        tpu.vector_store_idx %arg10[%select_n3A_61, %broadcast_in_dim3A_1, %rem3A_141, %parallel_loop3A_398], %parallel_loop3A_404 : memref<8x1x8x129xf32, #tpu.memory_space<vmem>>[vector<16xi32>, vector<16xi32>, vector<16xi32>, vector<16xi32>], vector<16xf32>,
        %parallel_loop3A_405 = arith.index_cast %parallel_loop3A_397 : i32 to index
        %parallel_loop3A_406 = arith.constant 32 : index
        %parallel_loop3A_407 = tpu.vector_load %arg6[%parallel_loop3A_405, %parallel_loop3A_406] {strides = array<i32>} : memref<128x64xf32, #tpu.memory_space<vmem>>, vector<16xf32>,
        tpu.vector_store_idx %arg10[%select_n3A_95, %broadcast_in_dim3A_1, %rem3A_147, %parallel_loop3A_398], %parallel_loop3A_407 : memref<8x1x8x129xf32, #tpu.memory_space<vmem>>[vector<16xi32>, vector<16xi32>, vector<16xi32>, vector<16xi32>], vector<16xf32>,
        %parallel_loop3A_408 = arith.index_cast %parallel_loop3A_397 : i32 to index
        %parallel_loop3A_409 = arith.constant 48 : index
        %parallel_loop3A_410 = tpu.vector_load %arg6[%parallel_loop3A_408, %parallel_loop3A_409] {strides = array<i32>} : memref<128x64xf32, #tpu.memory_space<vmem>>, vector<16xf32>,
        tpu.vector_store_idx %arg10[%select_n3A_129, %broadcast_in_dim3A_1, %rem3A_153, %parallel_loop3A_398], %parallel_loop3A_410 : memref<8x1x8x129xf32, #tpu.memory_space<vmem>>[vector<16xi32>, vector<16xi32>, vector<16xi32>, vector<16xi32>], vector<16xf32>,
      } {sc.loop_unroll_factor = 8 : i64, sc.parallel_access}
      %dma_start3A_248 = arith.constant 0 : i32
      %dma_start3A_249 = arith.constant 0 : i32
      %dma_start3A_250 = arith.constant 0 : i32
      %dma_start3A_251 = arith.constant 0 : i32
      %dma_start3A_252 = tpu.memref_slice %arg10[%dma_start3A_248, %dma_start3A_249, %dma_start3A_250, %dma_start3A_251] : memref<8x1x8x129xf32, #tpu.memory_space<vmem>> -> memref<8x1x8x128xf32, #tpu.memory_space<vmem>>
      %dma_start3A_253 = arith.constant 0 : i32
      %dma_start3A_254 = arith.constant 0 : i32
      %dma_start3A_255 = arith.constant 0 : i32
      %dma_start3A_256 = tpu.memref_slice %arg4[%add3A_231, %dma_start3A_253, %add3A, %dma_start3A_254, %dma_start3A_255] : memref<200x8x32x8x128xf32, #tpu.memory_space<hbm>> -> memref<1x8x1x8x128xf32, #tpu.memory_space<hbm>>
      %dma_start3A_257 = tpu.memref_squeeze %dma_start3A_256 : memref<1x8x1x8x128xf32, #tpu.memory_space<hbm>> -> memref<8x1x8x128xf32, #tpu.memory_space<hbm>>
      %dma_start3A_258 = arith.constant 0 : i32
      %dma_start3A_259 = arith.constant 0 : i32
      %dma_start3A_260 = arith.constant 0 : i32
      %dma_start3A_261 = tpu.memref_slice %arg4[%add3A_231, %dma_start3A_258, %add3A, %dma_start3A_259, %dma_start3A_260] : memref<200x8x32x8x128xf32, #tpu.memory_space<hbm>> -> memref<1x8x1x8x128xf32, #tpu.memory_space<hbm>>
      %dma_start3A_262 = tpu.memref_squeeze %dma_start3A_261 : memref<1x8x1x8x128xf32, #tpu.memory_space<hbm>> -> memref<8x1x8x128xf32, #tpu.memory_space<hbm>>
      %dma_start3A_263 = arith.constant 0 : i32
      %dma_start3A_264 = arith.constant 0 : i32
      %dma_start3A_265 = arith.constant 0 : i32
      %dma_start3A_266 = arith.constant 0 : i32
      %dma_start3A_267 = tpu.memref_slice %arg10[%dma_start3A_263, %dma_start3A_264, %dma_start3A_265, %dma_start3A_266] : memref<8x1x8x129xf32, #tpu.memory_space<vmem>> -> memref<8x1x8x128xf32, #tpu.memory_space<vmem>>
      tpu.enqueue_dma source(%dma_start3A_267 : memref<8x1x8x128xf32, #tpu.memory_space<vmem>>) target(%dma_start3A_262 : memref<8x1x8x128xf32, #tpu.memory_space<hbm>>) target_semaphore(%arg16 : memref<!tpu.dma_semaphore, #tpu.memory_space<semaphore_mem>>)
      %add3A_268 = arith.constant 1 : i32
      %add3A_269 = arith.addi %add3A_229, %add3A_268 : i32
      %add3A_270 = arith.constant 3 : i32
      %add3A_271 = arith.addi %add3A_269, %add3A_270 : i32
      %lt3A_272 = arith.constant 200 : i32
      %lt3A_273 = arith.cmpi slt, %add3A_271, %lt3A_272 : i32
      %convert_element_type3A_274 = arith.extui %lt3A_273 : i1 to i32
      %cond3A_275 = arith.constant 0 : i32
      %cond3A_276 = arith.cmpi ne, %convert_element_type3A_274, %cond3A_275 : i32
      scf.if %cond3A_276 {
        %add3A_397 = arith.constant 3 : i32
        %add3A_398 = arith.addi %add3A_269, %add3A_397 : i32
        %jit3A_399 = arith.constant 8 : i32
        %div3A_400 = arith.divsi %add3A_398, %jit3A_399 : i32
        %sign3A_401 = arith.constant 0 : i32
        %sign3A_402 = arith.cmpi sgt, %add3A_398, %sign3A_401 : i32
        %sign3A_403 = arith.extui %sign3A_402 : i1 to i32
        %sign3A_404 = arith.constant 0 : i32
        %sign3A_405 = arith.cmpi slt, %add3A_398, %sign3A_404 : i32
        %sign3A_406 = arith.extui %sign3A_405 : i1 to i32
        %sign3A_407 = arith.subi %sign3A_403, %sign3A_406 : i32
        %sign3A_408 = arith.constant 0 : i32
        %sign3A_409 = arith.cmpi sgt, %jit3A_399, %sign3A_408 : i32
        %sign3A_410 = arith.extui %sign3A_409 : i1 to i32
        %sign3A_411 = arith.constant 0 : i32
        %sign3A_412 = arith.cmpi slt, %jit3A_399, %sign3A_411 : i32
        %sign3A_413 = arith.extui %sign3A_412 : i1 to i32
        %sign3A_414 = arith.subi %sign3A_410, %sign3A_413 : i32
        %ne3A_415 = arith.cmpi ne, %sign3A_407, %sign3A_414 : i32
        %rem3A_416 = arith.remsi %add3A_398, %jit3A_399 : i32
        %ne3A_417 = arith.constant 0 : i32
        %ne3A_418 = arith.cmpi ne, %rem3A_416, %ne3A_417 : i32
        %and3A_419 = arith.andi %ne3A_415, %ne3A_418 : i1
        %sub3A_420 = arith.constant 1 : i32
        %sub3A_421 = arith.subi %div3A_400, %sub3A_420 : i32
        %select_n3A_422 = arith.select %and3A_419, %sub3A_421, %div3A_400 : i32
        %jit3A_423 = arith.constant 8 : i32
        %eq3A = arith.constant 0 : i32
        %eq3A_424 = arith.cmpi eq, %jit3A_423, %eq3A : i32
        %jit3A_425 = arith.constant 1 : i32
        %select_n3A_426 = arith.select %eq3A_424, %jit3A_425, %jit3A_423 : i32
        %rem3A_427 = arith.remsi %add3A_398, %select_n3A_426 : i32
        %ne3A_428 = arith.constant 0 : i32
        %ne3A_429 = arith.cmpi ne, %rem3A_427, %ne3A_428 : i32
        %lt3A_430 = arith.constant 0 : i32
        %lt3A_431 = arith.cmpi slt, %rem3A_427, %lt3A_430 : i32
        %lt3A_432 = arith.constant 0 : i32
        %lt3A_433 = arith.cmpi slt, %select_n3A_426, %lt3A_432 : i32
        %ne3A_434 = arith.xori %lt3A_431, %lt3A_433 : i1
        %and3A_435 = arith.andi %ne3A_434, %ne3A_429 : i1
        %add3A_436 = arith.addi %rem3A_427, %select_n3A_426 : i32
        %select_n3A_437 = arith.select %and3A_435, %add3A_436, %rem3A_427 : i32
        %dma_start3A_438 = arith.constant 0 : i32
        %dma_start3A_439 = arith.constant 0 : i32
        %dma_start3A_440 = tpu.memref_slice %arg5[%select_n3A_422, %dma_start3A_438, %select_n3A_437, %dma_start3A_439] : memref<25x1x8x128xi32, #tpu.memory_space<vmem>> -> memref<1x1x1x128xi32, #tpu.memory_space<vmem>>
        %dma_start3A_441 = tpu.memref_squeeze %dma_start3A_440 : memref<1x1x1x128xi32, #tpu.memory_space<vmem>> -> memref<128xi32, #tpu.memory_space<vmem>>
        %dma_start3A_442 = arith.constant 0 : i32
        %dma_start3A_443 = arith.constant 0 : i32
        %dma_start3A_444 = tpu.memref_slice %arg3[%dma_start3A_442, %dma_start3A_443] : memref<100000x64xf32, #tpu.memory_space<hbm>> -> memref<100000x64xf32, #tpu.memory_space<hbm>>
        tpu.enqueue_indirect_dma source(%dma_start3A_444 : memref<100000x64xf32, #tpu.memory_space<hbm>>) target(%arg6 : memref<128x64xf32, #tpu.memory_space<vmem>>) offsets(%dma_start3A_441 : memref<128xi32, #tpu.memory_space<vmem>>) semaphore(%arg12 : memref<!tpu.dma_semaphore, #tpu.memory_space<semaphore_mem>>)
      } else {
      }
      %dma_wait3A_277 = arith.constant 0 : i32
      %dma_wait3A_278 = arith.constant 0 : i32
      %dma_wait3A_279 = tpu.memref_slice %arg3[%dma_wait3A_277, %dma_wait3A_278] : memref<100000x64xf32, #tpu.memory_space<hbm>> -> memref<128x64xf32, #tpu.memory_space<hbm>>
      %dma_wait3A_280 = arith.constant 0 : i32
      %dma_wait3A_281 = arith.constant 0 : i32
      %dma_wait3A_282 = tpu.memref_slice %arg3[%dma_wait3A_280, %dma_wait3A_281] : memref<100000x64xf32, #tpu.memory_space<hbm>> -> memref<128x64xf32, #tpu.memory_space<hbm>>
      tpu.wait_dma2 semaphore(%arg13 : memref<!tpu.dma_semaphore, #tpu.memory_space<semaphore_mem>>) src(%dma_wait3A_282 : memref<128x64xf32, #tpu.memory_space<hbm>>) dst(%arg7 : memref<128x64xf32, #tpu.memory_space<vmem>>)
      %ge3A_283 = arith.constant 2 : i32
      %ge3A_284 = arith.cmpi sge, %add3A_269, %ge3A_283 : i32
      %convert_element_type3A_285 = arith.extui %ge3A_284 : i1 to i32
      %cond3A_286 = arith.constant 0 : i32
      %cond3A_287 = arith.cmpi ne, %convert_element_type3A_285, %cond3A_286 : i32
      scf.if %cond3A_287 {
        %dma_wait3A_397 = arith.constant 0 : i32
        %dma_wait3A_398 = arith.constant 0 : i32
        %dma_wait3A_399 = arith.constant 0 : i32
        %dma_wait3A_400 = arith.constant 0 : i32
        %dma_wait3A_401 = arith.constant 0 : i32
        %dma_wait3A_402 = tpu.memref_slice %arg11[%dma_wait3A_398, %dma_wait3A_399, %dma_wait3A_400, %dma_wait3A_401] : memref<8x1x8x129xf32, #tpu.memory_space<vmem>> -> memref<8x1x8x128xf32, #tpu.memory_space<vmem>>
        %dma_wait3A_403 = arith.constant 0 : i32
        %dma_wait3A_404 = arith.constant 0 : i32
        %dma_wait3A_405 = arith.constant 0 : i32
        %dma_wait3A_406 = tpu.memref_slice %arg4[%dma_wait3A_397, %dma_wait3A_403, %add3A, %dma_wait3A_404, %dma_wait3A_405] : memref<200x8x32x8x128xf32, #tpu.memory_space<hbm>> -> memref<1x8x1x8x128xf32, #tpu.memory_space<hbm>>
        %dma_wait3A_407 = tpu.memref_squeeze %dma_wait3A_406 : memref<1x8x1x8x128xf32, #tpu.memory_space<hbm>> -> memref<8x1x8x128xf32, #tpu.memory_space<hbm>>
        %dma_wait3A_408 = arith.constant 0 : i32
        %dma_wait3A_409 = arith.constant 0 : i32
        %dma_wait3A_410 = arith.constant 0 : i32
        %dma_wait3A_411 = tpu.memref_slice %arg4[%dma_wait3A_397, %dma_wait3A_408, %add3A, %dma_wait3A_409, %dma_wait3A_410] : memref<200x8x32x8x128xf32, #tpu.memory_space<hbm>> -> memref<1x8x1x8x128xf32, #tpu.memory_space<hbm>>
        %dma_wait3A_412 = tpu.memref_squeeze %dma_wait3A_411 : memref<1x8x1x8x128xf32, #tpu.memory_space<hbm>> -> memref<8x1x8x128xf32, #tpu.memory_space<hbm>>
        %dma_wait3A_413 = arith.constant 0 : i32
        %dma_wait3A_414 = arith.constant 0 : i32
        %dma_wait3A_415 = arith.constant 0 : i32
        %dma_wait3A_416 = arith.constant 0 : i32
        %dma_wait3A_417 = tpu.memref_slice %arg11[%dma_wait3A_413, %dma_wait3A_414, %dma_wait3A_415, %dma_wait3A_416] : memref<8x1x8x129xf32, #tpu.memory_space<vmem>> -> memref<8x1x8x128xf32, #tpu.memory_space<vmem>>
        tpu.wait_dma2 semaphore(%arg17 : memref<!tpu.dma_semaphore, #tpu.memory_space<semaphore_mem>>) src(%dma_wait3A_417 : memref<8x1x8x128xf32, #tpu.memory_space<vmem>>) dst(%dma_wait3A_412 : memref<8x1x8x128xf32, #tpu.memory_space<hbm>>)
      } else {
      }
      %parallel_loop3A_288 = arith.constant 0 : i32
      %parallel_loop3A_289 = arith.constant 128 : i32
      %parallel_loop3A_290 = arith.constant 1 : i32
      scf.for %parallel_loop3A_397 = %parallel_loop3A_288 to %parallel_loop3A_289 step %parallel_loop3A_290  : i32 {
        %parallel_loop3A_398 = vector.broadcast %parallel_loop3A_397 : i32 to vector<16xi32>
        %parallel_loop3A_399 = arith.index_cast %parallel_loop3A_397 : i32 to index
        %parallel_loop3A_400 = arith.constant 0 : index
        %parallel_loop3A_401 = tpu.vector_load %arg7[%parallel_loop3A_399, %parallel_loop3A_400] {strides = array<i32>} : memref<128x64xf32, #tpu.memory_space<vmem>>, vector<16xf32>,
        tpu.vector_store_idx %arg11[%select_n3A, %broadcast_in_dim3A_1, %rem3A_135, %parallel_loop3A_398], %parallel_loop3A_401 : memref<8x1x8x129xf32, #tpu.memory_space<vmem>>[vector<16xi32>, vector<16xi32>, vector<16xi32>, vector<16xi32>], vector<16xf32>,
        %parallel_loop3A_402 = arith.index_cast %parallel_loop3A_397 : i32 to index
        %parallel_loop3A_403 = arith.constant 16 : index
        %parallel_loop3A_404 = tpu.vector_load %arg7[%parallel_loop3A_402, %parallel_loop3A_403] {strides = array<i32>} : memref<128x64xf32, #tpu.memory_space<vmem>>, vector<16xf32>,
        tpu.vector_store_idx %arg11[%select_n3A_61, %broadcast_in_dim3A_1, %rem3A_141, %parallel_loop3A_398], %parallel_loop3A_404 : memref<8x1x8x129xf32, #tpu.memory_space<vmem>>[vector<16xi32>, vector<16xi32>, vector<16xi32>, vector<16xi32>], vector<16xf32>,
        %parallel_loop3A_405 = arith.index_cast %parallel_loop3A_397 : i32 to index
        %parallel_loop3A_406 = arith.constant 32 : index
        %parallel_loop3A_407 = tpu.vector_load %arg7[%parallel_loop3A_405, %parallel_loop3A_406] {strides = array<i32>} : memref<128x64xf32, #tpu.memory_space<vmem>>, vector<16xf32>,
        tpu.vector_store_idx %arg11[%select_n3A_95, %broadcast_in_dim3A_1, %rem3A_147, %parallel_loop3A_398], %parallel_loop3A_407 : memref<8x1x8x129xf32, #tpu.memory_space<vmem>>[vector<16xi32>, vector<16xi32>, vector<16xi32>, vector<16xi32>], vector<16xf32>,
        %parallel_loop3A_408 = arith.index_cast %parallel_loop3A_397 : i32 to index
        %parallel_loop3A_409 = arith.constant 48 : index
        %parallel_loop3A_410 = tpu.vector_load %arg7[%parallel_loop3A_408, %parallel_loop3A_409] {strides = array<i32>} : memref<128x64xf32, #tpu.memory_space<vmem>>, vector<16xf32>,
        tpu.vector_store_idx %arg11[%select_n3A_129, %broadcast_in_dim3A_1, %rem3A_153, %parallel_loop3A_398], %parallel_loop3A_410 : memref<8x1x8x129xf32, #tpu.memory_space<vmem>>[vector<16xi32>, vector<16xi32>, vector<16xi32>, vector<16xi32>], vector<16xf32>,
      } {sc.loop_unroll_factor = 8 : i64, sc.parallel_access}
      %dma_start3A_291 = arith.constant 0 : i32
      %dma_start3A_292 = arith.constant 0 : i32
      %dma_start3A_293 = arith.constant 0 : i32
      %dma_start3A_294 = arith.constant 0 : i32
      %dma_start3A_295 = tpu.memref_slice %arg11[%dma_start3A_291, %dma_start3A_292, %dma_start3A_293, %dma_start3A_294] : memref<8x1x8x129xf32, #tpu.memory_space<vmem>> -> memref<8x1x8x128xf32, #tpu.memory_space<vmem>>
      %dma_start3A_296 = arith.constant 0 : i32
      %dma_start3A_297 = arith.constant 0 : i32
      %dma_start3A_298 = arith.constant 0 : i32
      %dma_start3A_299 = tpu.memref_slice %arg4[%add3A_269, %dma_start3A_296, %add3A, %dma_start3A_297, %dma_start3A_298] : memref<200x8x32x8x128xf32, #tpu.memory_space<hbm>> -> memref<1x8x1x8x128xf32, #tpu.memory_space<hbm>>
      %dma_start3A_300 = tpu.memref_squeeze %dma_start3A_299 : memref<1x8x1x8x128xf32, #tpu.memory_space<hbm>> -> memref<8x1x8x128xf32, #tpu.memory_space<hbm>>
      %dma_start3A_301 = arith.constant 0 : i32
      %dma_start3A_302 = arith.constant 0 : i32
      %dma_start3A_303 = arith.constant 0 : i32
      %dma_start3A_304 = tpu.memref_slice %arg4[%add3A_269, %dma_start3A_301, %add3A, %dma_start3A_302, %dma_start3A_303] : memref<200x8x32x8x128xf32, #tpu.memory_space<hbm>> -> memref<1x8x1x8x128xf32, #tpu.memory_space<hbm>>
      %dma_start3A_305 = tpu.memref_squeeze %dma_start3A_304 : memref<1x8x1x8x128xf32, #tpu.memory_space<hbm>> -> memref<8x1x8x128xf32, #tpu.memory_space<hbm>>
      %dma_start3A_306 = arith.constant 0 : i32
      %dma_start3A_307 = arith.constant 0 : i32
      %dma_start3A_308 = arith.constant 0 : i32
      %dma_start3A_309 = arith.constant 0 : i32
      %dma_start3A_310 = tpu.memref_slice %arg11[%dma_start3A_306, %dma_start3A_307, %dma_start3A_308, %dma_start3A_309] : memref<8x1x8x129xf32, #tpu.memory_space<vmem>> -> memref<8x1x8x128xf32, #tpu.memory_space<vmem>>
      tpu.enqueue_dma source(%dma_start3A_310 : memref<8x1x8x128xf32, #tpu.memory_space<vmem>>) target(%dma_start3A_305 : memref<8x1x8x128xf32, #tpu.memory_space<hbm>>) target_semaphore(%arg17 : memref<!tpu.dma_semaphore, #tpu.memory_space<semaphore_mem>>)
      %add3A_311 = arith.constant 2 : i32
      %add3A_312 = arith.addi %add3A_229, %add3A_311 : i32
      %add3A_313 = arith.constant 3 : i32
      %add3A_314 = arith.addi %add3A_312, %add3A_313 : i32
      %lt3A_315 = arith.constant 200 : i32
      %lt3A_316 = arith.cmpi slt, %add3A_314, %lt3A_315 : i32
      %convert_element_type3A_317 = arith.extui %lt3A_316 : i1 to i32
      %cond3A_318 = arith.constant 0 : i32
      %cond3A_319 = arith.cmpi ne, %convert_element_type3A_317, %cond3A_318 : i32
      scf.if %cond3A_319 {
        %add3A_397 = arith.constant 3 : i32
        %add3A_398 = arith.addi %add3A_312, %add3A_397 : i32
        %jit3A_399 = arith.constant 8 : i32
        %div3A_400 = arith.divsi %add3A_398, %jit3A_399 : i32
        %sign3A_401 = arith.constant 0 : i32
        %sign3A_402 = arith.cmpi sgt, %add3A_398, %sign3A_401 : i32
        %sign3A_403 = arith.extui %sign3A_402 : i1 to i32
        %sign3A_404 = arith.constant 0 : i32
        %sign3A_405 = arith.cmpi slt, %add3A_398, %sign3A_404 : i32
        %sign3A_406 = arith.extui %sign3A_405 : i1 to i32
        %sign3A_407 = arith.subi %sign3A_403, %sign3A_406 : i32
        %sign3A_408 = arith.constant 0 : i32
        %sign3A_409 = arith.cmpi sgt, %jit3A_399, %sign3A_408 : i32
        %sign3A_410 = arith.extui %sign3A_409 : i1 to i32
        %sign3A_411 = arith.constant 0 : i32
        %sign3A_412 = arith.cmpi slt, %jit3A_399, %sign3A_411 : i32
        %sign3A_413 = arith.extui %sign3A_412 : i1 to i32
        %sign3A_414 = arith.subi %sign3A_410, %sign3A_413 : i32
        %ne3A_415 = arith.cmpi ne, %sign3A_407, %sign3A_414 : i32
        %rem3A_416 = arith.remsi %add3A_398, %jit3A_399 : i32
        %ne3A_417 = arith.constant 0 : i32
        %ne3A_418 = arith.cmpi ne, %rem3A_416, %ne3A_417 : i32
        %and3A_419 = arith.andi %ne3A_415, %ne3A_418 : i1
        %sub3A_420 = arith.constant 1 : i32
        %sub3A_421 = arith.subi %div3A_400, %sub3A_420 : i32
        %select_n3A_422 = arith.select %and3A_419, %sub3A_421, %div3A_400 : i32
        %jit3A_423 = arith.constant 8 : i32
        %eq3A = arith.constant 0 : i32
        %eq3A_424 = arith.cmpi eq, %jit3A_423, %eq3A : i32
        %jit3A_425 = arith.constant 1 : i32
        %select_n3A_426 = arith.select %eq3A_424, %jit3A_425, %jit3A_423 : i32
        %rem3A_427 = arith.remsi %add3A_398, %select_n3A_426 : i32
        %ne3A_428 = arith.constant 0 : i32
        %ne3A_429 = arith.cmpi ne, %rem3A_427, %ne3A_428 : i32
        %lt3A_430 = arith.constant 0 : i32
        %lt3A_431 = arith.cmpi slt, %rem3A_427, %lt3A_430 : i32
        %lt3A_432 = arith.constant 0 : i32
        %lt3A_433 = arith.cmpi slt, %select_n3A_426, %lt3A_432 : i32
        %ne3A_434 = arith.xori %lt3A_431, %lt3A_433 : i1
        %and3A_435 = arith.andi %ne3A_434, %ne3A_429 : i1
        %add3A_436 = arith.addi %rem3A_427, %select_n3A_426 : i32
        %select_n3A_437 = arith.select %and3A_435, %add3A_436, %rem3A_427 : i32
        %dma_start3A_438 = arith.constant 0 : i32
        %dma_start3A_439 = arith.constant 0 : i32
        %dma_start3A_440 = tpu.memref_slice %arg5[%select_n3A_422, %dma_start3A_438, %select_n3A_437, %dma_start3A_439] : memref<25x1x8x128xi32, #tpu.memory_space<vmem>> -> memref<1x1x1x128xi32, #tpu.memory_space<vmem>>
        %dma_start3A_441 = tpu.memref_squeeze %dma_start3A_440 : memref<1x1x1x128xi32, #tpu.memory_space<vmem>> -> memref<128xi32, #tpu.memory_space<vmem>>
        %dma_start3A_442 = arith.constant 0 : i32
        %dma_start3A_443 = arith.constant 0 : i32
        %dma_start3A_444 = tpu.memref_slice %arg3[%dma_start3A_442, %dma_start3A_443] : memref<100000x64xf32, #tpu.memory_space<hbm>> -> memref<100000x64xf32, #tpu.memory_space<hbm>>
        tpu.enqueue_indirect_dma source(%dma_start3A_444 : memref<100000x64xf32, #tpu.memory_space<hbm>>) target(%arg7 : memref<128x64xf32, #tpu.memory_space<vmem>>) offsets(%dma_start3A_441 : memref<128xi32, #tpu.memory_space<vmem>>) semaphore(%arg13 : memref<!tpu.dma_semaphore, #tpu.memory_space<semaphore_mem>>)
      } else {
      }
      %dma_wait3A_320 = arith.constant 0 : i32
      %dma_wait3A_321 = arith.constant 0 : i32
      %dma_wait3A_322 = tpu.memref_slice %arg3[%dma_wait3A_320, %dma_wait3A_321] : memref<100000x64xf32, #tpu.memory_space<hbm>> -> memref<128x64xf32, #tpu.memory_space<hbm>>
      %dma_wait3A_323 = arith.constant 0 : i32
      %dma_wait3A_324 = arith.constant 0 : i32
      %dma_wait3A_325 = tpu.memref_slice %arg3[%dma_wait3A_323, %dma_wait3A_324] : memref<100000x64xf32, #tpu.memory_space<hbm>> -> memref<128x64xf32, #tpu.memory_space<hbm>>
      tpu.wait_dma2 semaphore(%arg14 : memref<!tpu.dma_semaphore, #tpu.memory_space<semaphore_mem>>) src(%dma_wait3A_325 : memref<128x64xf32, #tpu.memory_space<hbm>>) dst(%arg8 : memref<128x64xf32, #tpu.memory_space<vmem>>)
      %ge3A_326 = arith.constant 2 : i32
      %ge3A_327 = arith.cmpi sge, %add3A_312, %ge3A_326 : i32
      %convert_element_type3A_328 = arith.extui %ge3A_327 : i1 to i32
      %cond3A_329 = arith.constant 0 : i32
      %cond3A_330 = arith.cmpi ne, %convert_element_type3A_328, %cond3A_329 : i32
      scf.if %cond3A_330 {
        %dma_wait3A_397 = arith.constant 0 : i32
        %dma_wait3A_398 = arith.constant 0 : i32
        %dma_wait3A_399 = arith.constant 0 : i32
        %dma_wait3A_400 = arith.constant 0 : i32
        %dma_wait3A_401 = arith.constant 0 : i32
        %dma_wait3A_402 = tpu.memref_slice %arg10[%dma_wait3A_398, %dma_wait3A_399, %dma_wait3A_400, %dma_wait3A_401] : memref<8x1x8x129xf32, #tpu.memory_space<vmem>> -> memref<8x1x8x128xf32, #tpu.memory_space<vmem>>
        %dma_wait3A_403 = arith.constant 0 : i32
        %dma_wait3A_404 = arith.constant 0 : i32
        %dma_wait3A_405 = arith.constant 0 : i32
        %dma_wait3A_406 = tpu.memref_slice %arg4[%dma_wait3A_397, %dma_wait3A_403, %add3A, %dma_wait3A_404, %dma_wait3A_405] : memref<200x8x32x8x128xf32, #tpu.memory_space<hbm>> -> memref<1x8x1x8x128xf32, #tpu.memory_space<hbm>>
        %dma_wait3A_407 = tpu.memref_squeeze %dma_wait3A_406 : memref<1x8x1x8x128xf32, #tpu.memory_space<hbm>> -> memref<8x1x8x128xf32, #tpu.memory_space<hbm>>
        %dma_wait3A_408 = arith.constant 0 : i32
        %dma_wait3A_409 = arith.constant 0 : i32
        %dma_wait3A_410 = arith.constant 0 : i32
        %dma_wait3A_411 = tpu.memref_slice %arg4[%dma_wait3A_397, %dma_wait3A_408, %add3A, %dma_wait3A_409, %dma_wait3A_410] : memref<200x8x32x8x128xf32, #tpu.memory_space<hbm>> -> memref<1x8x1x8x128xf32, #tpu.memory_space<hbm>>
        %dma_wait3A_412 = tpu.memref_squeeze %dma_wait3A_411 : memref<1x8x1x8x128xf32, #tpu.memory_space<hbm>> -> memref<8x1x8x128xf32, #tpu.memory_space<hbm>>
        %dma_wait3A_413 = arith.constant 0 : i32
        %dma_wait3A_414 = arith.constant 0 : i32
        %dma_wait3A_415 = arith.constant 0 : i32
        %dma_wait3A_416 = arith.constant 0 : i32
        %dma_wait3A_417 = tpu.memref_slice %arg10[%dma_wait3A_413, %dma_wait3A_414, %dma_wait3A_415, %dma_wait3A_416] : memref<8x1x8x129xf32, #tpu.memory_space<vmem>> -> memref<8x1x8x128xf32, #tpu.memory_space<vmem>>
        tpu.wait_dma2 semaphore(%arg16 : memref<!tpu.dma_semaphore, #tpu.memory_space<semaphore_mem>>) src(%dma_wait3A_417 : memref<8x1x8x128xf32, #tpu.memory_space<vmem>>) dst(%dma_wait3A_412 : memref<8x1x8x128xf32, #tpu.memory_space<hbm>>)
      } else {
      }
      %parallel_loop3A_331 = arith.constant 0 : i32
      %parallel_loop3A_332 = arith.constant 128 : i32
      %parallel_loop3A_333 = arith.constant 1 : i32
      scf.for %parallel_loop3A_397 = %parallel_loop3A_331 to %parallel_loop3A_332 step %parallel_loop3A_333  : i32 {
        %parallel_loop3A_398 = vector.broadcast %parallel_loop3A_397 : i32 to vector<16xi32>
        %parallel_loop3A_399 = arith.index_cast %parallel_loop3A_397 : i32 to index
        %parallel_loop3A_400 = arith.constant 0 : index
        %parallel_loop3A_401 = tpu.vector_load %arg8[%parallel_loop3A_399, %parallel_loop3A_400] {strides = array<i32>} : memref<128x64xf32, #tpu.memory_space<vmem>>, vector<16xf32>,
        tpu.vector_store_idx %arg10[%select_n3A, %broadcast_in_dim3A_1, %rem3A_135, %parallel_loop3A_398], %parallel_loop3A_401 : memref<8x1x8x129xf32, #tpu.memory_space<vmem>>[vector<16xi32>, vector<16xi32>, vector<16xi32>, vector<16xi32>], vector<16xf32>,
        %parallel_loop3A_402 = arith.index_cast %parallel_loop3A_397 : i32 to index
        %parallel_loop3A_403 = arith.constant 16 : index
        %parallel_loop3A_404 = tpu.vector_load %arg8[%parallel_loop3A_402, %parallel_loop3A_403] {strides = array<i32>} : memref<128x64xf32, #tpu.memory_space<vmem>>, vector<16xf32>,
        tpu.vector_store_idx %arg10[%select_n3A_61, %broadcast_in_dim3A_1, %rem3A_141, %parallel_loop3A_398], %parallel_loop3A_404 : memref<8x1x8x129xf32, #tpu.memory_space<vmem>>[vector<16xi32>, vector<16xi32>, vector<16xi32>, vector<16xi32>], vector<16xf32>,
        %parallel_loop3A_405 = arith.index_cast %parallel_loop3A_397 : i32 to index
        %parallel_loop3A_406 = arith.constant 32 : index
        %parallel_loop3A_407 = tpu.vector_load %arg8[%parallel_loop3A_405, %parallel_loop3A_406] {strides = array<i32>} : memref<128x64xf32, #tpu.memory_space<vmem>>, vector<16xf32>,
        tpu.vector_store_idx %arg10[%select_n3A_95, %broadcast_in_dim3A_1, %rem3A_147, %parallel_loop3A_398], %parallel_loop3A_407 : memref<8x1x8x129xf32, #tpu.memory_space<vmem>>[vector<16xi32>, vector<16xi32>, vector<16xi32>, vector<16xi32>], vector<16xf32>,
        %parallel_loop3A_408 = arith.index_cast %parallel_loop3A_397 : i32 to index
        %parallel_loop3A_409 = arith.constant 48 : index
        %parallel_loop3A_410 = tpu.vector_load %arg8[%parallel_loop3A_408, %parallel_loop3A_409] {strides = array<i32>} : memref<128x64xf32, #tpu.memory_space<vmem>>, vector<16xf32>,
        tpu.vector_store_idx %arg10[%select_n3A_129, %broadcast_in_dim3A_1, %rem3A_153, %parallel_loop3A_398], %parallel_loop3A_410 : memref<8x1x8x129xf32, #tpu.memory_space<vmem>>[vector<16xi32>, vector<16xi32>, vector<16xi32>, vector<16xi32>], vector<16xf32>,
      } {sc.loop_unroll_factor = 8 : i64, sc.parallel_access}
      %dma_start3A_334 = arith.constant 0 : i32
      %dma_start3A_335 = arith.constant 0 : i32
      %dma_start3A_336 = arith.constant 0 : i32
      %dma_start3A_337 = arith.constant 0 : i32
      %dma_start3A_338 = tpu.memref_slice %arg10[%dma_start3A_334, %dma_start3A_335, %dma_start3A_336, %dma_start3A_337] : memref<8x1x8x129xf32, #tpu.memory_space<vmem>> -> memref<8x1x8x128xf32, #tpu.memory_space<vmem>>
      %dma_start3A_339 = arith.constant 0 : i32
      %dma_start3A_340 = arith.constant 0 : i32
      %dma_start3A_341 = arith.constant 0 : i32
      %dma_start3A_342 = tpu.memref_slice %arg4[%add3A_312, %dma_start3A_339, %add3A, %dma_start3A_340, %dma_start3A_341] : memref<200x8x32x8x128xf32, #tpu.memory_space<hbm>> -> memref<1x8x1x8x128xf32, #tpu.memory_space<hbm>>
      %dma_start3A_343 = tpu.memref_squeeze %dma_start3A_342 : memref<1x8x1x8x128xf32, #tpu.memory_space<hbm>> -> memref<8x1x8x128xf32, #tpu.memory_space<hbm>>
      %dma_start3A_344 = arith.constant 0 : i32
      %dma_start3A_345 = arith.constant 0 : i32
      %dma_start3A_346 = arith.constant 0 : i32
      %dma_start3A_347 = tpu.memref_slice %arg4[%add3A_312, %dma_start3A_344, %add3A, %dma_start3A_345, %dma_start3A_346] : memref<200x8x32x8x128xf32, #tpu.memory_space<hbm>> -> memref<1x8x1x8x128xf32, #tpu.memory_space<hbm>>
      %dma_start3A_348 = tpu.memref_squeeze %dma_start3A_347 : memref<1x8x1x8x128xf32, #tpu.memory_space<hbm>> -> memref<8x1x8x128xf32, #tpu.memory_space<hbm>>
      %dma_start3A_349 = arith.constant 0 : i32
      %dma_start3A_350 = arith.constant 0 : i32
      %dma_start3A_351 = arith.constant 0 : i32
      %dma_start3A_352 = arith.constant 0 : i32
      %dma_start3A_353 = tpu.memref_slice %arg10[%dma_start3A_349, %dma_start3A_350, %dma_start3A_351, %dma_start3A_352] : memref<8x1x8x129xf32, #tpu.memory_space<vmem>> -> memref<8x1x8x128xf32, #tpu.memory_space<vmem>>
      tpu.enqueue_dma source(%dma_start3A_353 : memref<8x1x8x128xf32, #tpu.memory_space<vmem>>) target(%dma_start3A_348 : memref<8x1x8x128xf32, #tpu.memory_space<hbm>>) target_semaphore(%arg16 : memref<!tpu.dma_semaphore, #tpu.memory_space<semaphore_mem>>)
      %add3A_354 = arith.constant 3 : i32
      %add3A_355 = arith.addi %add3A_229, %add3A_354 : i32
      %add3A_356 = arith.constant 3 : i32
      %add3A_357 = arith.addi %add3A_355, %add3A_356 : i32
      %lt3A_358 = arith.constant 200 : i32
      %lt3A_359 = arith.cmpi slt, %add3A_357, %lt3A_358 : i32
      %convert_element_type3A_360 = arith.extui %lt3A_359 : i1 to i32
      %cond3A_361 = arith.constant 0 : i32
      %cond3A_362 = arith.cmpi ne, %convert_element_type3A_360, %cond3A_361 : i32
      scf.if %cond3A_362 {
        %add3A_397 = arith.constant 3 : i32
        %add3A_398 = arith.addi %add3A_355, %add3A_397 : i32
        %jit3A_399 = arith.constant 8 : i32
        %div3A_400 = arith.divsi %add3A_398, %jit3A_399 : i32
        %sign3A_401 = arith.constant 0 : i32
        %sign3A_402 = arith.cmpi sgt, %add3A_398, %sign3A_401 : i32
        %sign3A_403 = arith.extui %sign3A_402 : i1 to i32
        %sign3A_404 = arith.constant 0 : i32
        %sign3A_405 = arith.cmpi slt, %add3A_398, %sign3A_404 : i32
        %sign3A_406 = arith.extui %sign3A_405 : i1 to i32
        %sign3A_407 = arith.subi %sign3A_403, %sign3A_406 : i32
        %sign3A_408 = arith.constant 0 : i32
        %sign3A_409 = arith.cmpi sgt, %jit3A_399, %sign3A_408 : i32
        %sign3A_410 = arith.extui %sign3A_409 : i1 to i32
        %sign3A_411 = arith.constant 0 : i32
        %sign3A_412 = arith.cmpi slt, %jit3A_399, %sign3A_411 : i32
        %sign3A_413 = arith.extui %sign3A_412 : i1 to i32
        %sign3A_414 = arith.subi %sign3A_410, %sign3A_413 : i32
        %ne3A_415 = arith.cmpi ne, %sign3A_407, %sign3A_414 : i32
        %rem3A_416 = arith.remsi %add3A_398, %jit3A_399 : i32
        %ne3A_417 = arith.constant 0 : i32
        %ne3A_418 = arith.cmpi ne, %rem3A_416, %ne3A_417 : i32
        %and3A_419 = arith.andi %ne3A_415, %ne3A_418 : i1
        %sub3A_420 = arith.constant 1 : i32
        %sub3A_421 = arith.subi %div3A_400, %sub3A_420 : i32
        %select_n3A_422 = arith.select %and3A_419, %sub3A_421, %div3A_400 : i32
        %jit3A_423 = arith.constant 8 : i32
        %eq3A = arith.constant 0 : i32
        %eq3A_424 = arith.cmpi eq, %jit3A_423, %eq3A : i32
        %jit3A_425 = arith.constant 1 : i32
        %select_n3A_426 = arith.select %eq3A_424, %jit3A_425, %jit3A_423 : i32
        %rem3A_427 = arith.remsi %add3A_398, %select_n3A_426 : i32
        %ne3A_428 = arith.constant 0 : i32
        %ne3A_429 = arith.cmpi ne, %rem3A_427, %ne3A_428 : i32
        %lt3A_430 = arith.constant 0 : i32
        %lt3A_431 = arith.cmpi slt, %rem3A_427, %lt3A_430 : i32
        %lt3A_432 = arith.constant 0 : i32
        %lt3A_433 = arith.cmpi slt, %select_n3A_426, %lt3A_432 : i32
        %ne3A_434 = arith.xori %lt3A_431, %lt3A_433 : i1
        %and3A_435 = arith.andi %ne3A_434, %ne3A_429 : i1
        %add3A_436 = arith.addi %rem3A_427, %select_n3A_426 : i32
        %select_n3A_437 = arith.select %and3A_435, %add3A_436, %rem3A_427 : i32
        %dma_start3A_438 = arith.constant 0 : i32
        %dma_start3A_439 = arith.constant 0 : i32
        %dma_start3A_440 = tpu.memref_slice %arg5[%select_n3A_422, %dma_start3A_438, %select_n3A_437, %dma_start3A_439] : memref<25x1x8x128xi32, #tpu.memory_space<vmem>> -> memref<1x1x1x128xi32, #tpu.memory_space<vmem>>
        %dma_start3A_441 = tpu.memref_squeeze %dma_start3A_440 : memref<1x1x1x128xi32, #tpu.memory_space<vmem>> -> memref<128xi32, #tpu.memory_space<vmem>>
        %dma_start3A_442 = arith.constant 0 : i32
        %dma_start3A_443 = arith.constant 0 : i32
        %dma_start3A_444 = tpu.memref_slice %arg3[%dma_start3A_442, %dma_start3A_443] : memref<100000x64xf32, #tpu.memory_space<hbm>> -> memref<100000x64xf32, #tpu.memory_space<hbm>>
        tpu.enqueue_indirect_dma source(%dma_start3A_444 : memref<100000x64xf32, #tpu.memory_space<hbm>>) target(%arg8 : memref<128x64xf32, #tpu.memory_space<vmem>>) offsets(%dma_start3A_441 : memref<128xi32, #tpu.memory_space<vmem>>) semaphore(%arg14 : memref<!tpu.dma_semaphore, #tpu.memory_space<semaphore_mem>>)
      } else {
      }
      %dma_wait3A_363 = arith.constant 0 : i32
      %dma_wait3A_364 = arith.constant 0 : i32
      %dma_wait3A_365 = tpu.memref_slice %arg3[%dma_wait3A_363, %dma_wait3A_364] : memref<100000x64xf32, #tpu.memory_space<hbm>> -> memref<128x64xf32, #tpu.memory_space<hbm>>
      %dma_wait3A_366 = arith.constant 0 : i32
      %dma_wait3A_367 = arith.constant 0 : i32
      %dma_wait3A_368 = tpu.memref_slice %arg3[%dma_wait3A_366, %dma_wait3A_367] : memref<100000x64xf32, #tpu.memory_space<hbm>> -> memref<128x64xf32, #tpu.memory_space<hbm>>
      tpu.wait_dma2 semaphore(%arg15 : memref<!tpu.dma_semaphore, #tpu.memory_space<semaphore_mem>>) src(%dma_wait3A_368 : memref<128x64xf32, #tpu.memory_space<hbm>>) dst(%arg9 : memref<128x64xf32, #tpu.memory_space<vmem>>)
      %ge3A_369 = arith.constant 2 : i32
      %ge3A_370 = arith.cmpi sge, %add3A_355, %ge3A_369 : i32
      %convert_element_type3A_371 = arith.extui %ge3A_370 : i1 to i32
      %cond3A_372 = arith.constant 0 : i32
      %cond3A_373 = arith.cmpi ne, %convert_element_type3A_371, %cond3A_372 : i32
      scf.if %cond3A_373 {
        %dma_wait3A_397 = arith.constant 0 : i32
        %dma_wait3A_398 = arith.constant 0 : i32
        %dma_wait3A_399 = arith.constant 0 : i32
        %dma_wait3A_400 = arith.constant 0 : i32
        %dma_wait3A_401 = arith.constant 0 : i32
        %dma_wait3A_402 = tpu.memref_slice %arg11[%dma_wait3A_398, %dma_wait3A_399, %dma_wait3A_400, %dma_wait3A_401] : memref<8x1x8x129xf32, #tpu.memory_space<vmem>> -> memref<8x1x8x128xf32, #tpu.memory_space<vmem>>
        %dma_wait3A_403 = arith.constant 0 : i32
        %dma_wait3A_404 = arith.constant 0 : i32
        %dma_wait3A_405 = arith.constant 0 : i32
        %dma_wait3A_406 = tpu.memref_slice %arg4[%dma_wait3A_397, %dma_wait3A_403, %add3A, %dma_wait3A_404, %dma_wait3A_405] : memref<200x8x32x8x128xf32, #tpu.memory_space<hbm>> -> memref<1x8x1x8x128xf32, #tpu.memory_space<hbm>>
        %dma_wait3A_407 = tpu.memref_squeeze %dma_wait3A_406 : memref<1x8x1x8x128xf32, #tpu.memory_space<hbm>> -> memref<8x1x8x128xf32, #tpu.memory_space<hbm>>
        %dma_wait3A_408 = arith.constant 0 : i32
        %dma_wait3A_409 = arith.constant 0 : i32
        %dma_wait3A_410 = arith.constant 0 : i32
        %dma_wait3A_411 = tpu.memref_slice %arg4[%dma_wait3A_397, %dma_wait3A_408, %add3A, %dma_wait3A_409, %dma_wait3A_410] : memref<200x8x32x8x128xf32, #tpu.memory_space<hbm>> -> memref<1x8x1x8x128xf32, #tpu.memory_space<hbm>>
        %dma_wait3A_412 = tpu.memref_squeeze %dma_wait3A_411 : memref<1x8x1x8x128xf32, #tpu.memory_space<hbm>> -> memref<8x1x8x128xf32, #tpu.memory_space<hbm>>
        %dma_wait3A_413 = arith.constant 0 : i32
        %dma_wait3A_414 = arith.constant 0 : i32
        %dma_wait3A_415 = arith.constant 0 : i32
        %dma_wait3A_416 = arith.constant 0 : i32
        %dma_wait3A_417 = tpu.memref_slice %arg11[%dma_wait3A_413, %dma_wait3A_414, %dma_wait3A_415, %dma_wait3A_416] : memref<8x1x8x129xf32, #tpu.memory_space<vmem>> -> memref<8x1x8x128xf32, #tpu.memory_space<vmem>>
        tpu.wait_dma2 semaphore(%arg17 : memref<!tpu.dma_semaphore, #tpu.memory_space<semaphore_mem>>) src(%dma_wait3A_417 : memref<8x1x8x128xf32, #tpu.memory_space<vmem>>) dst(%dma_wait3A_412 : memref<8x1x8x128xf32, #tpu.memory_space<hbm>>)
      } else {
      }
      %parallel_loop3A_374 = arith.constant 0 : i32
      %parallel_loop3A_375 = arith.constant 128 : i32
      %parallel_loop3A_376 = arith.constant 1 : i32
      scf.for %parallel_loop3A_397 = %parallel_loop3A_374 to %parallel_loop3A_375 step %parallel_loop3A_376  : i32 {
        %parallel_loop3A_398 = vector.broadcast %parallel_loop3A_397 : i32 to vector<16xi32>
        %parallel_loop3A_399 = arith.index_cast %parallel_loop3A_397 : i32 to index
        %parallel_loop3A_400 = arith.constant 0 : index
        %parallel_loop3A_401 = tpu.vector_load %arg9[%parallel_loop3A_399, %parallel_loop3A_400] {strides = array<i32>} : memref<128x64xf32, #tpu.memory_space<vmem>>, vector<16xf32>,
        tpu.vector_store_idx %arg11[%select_n3A, %broadcast_in_dim3A_1, %rem3A_135, %parallel_loop3A_398], %parallel_loop3A_401 : memref<8x1x8x129xf32, #tpu.memory_space<vmem>>[vector<16xi32>, vector<16xi32>, vector<16xi32>, vector<16xi32>], vector<16xf32>,
        %parallel_loop3A_402 = arith.index_cast %parallel_loop3A_397 : i32 to index
        %parallel_loop3A_403 = arith.constant 16 : index
        %parallel_loop3A_404 = tpu.vector_load %arg9[%parallel_loop3A_402, %parallel_loop3A_403] {strides = array<i32>} : memref<128x64xf32, #tpu.memory_space<vmem>>, vector<16xf32>,
        tpu.vector_store_idx %arg11[%select_n3A_61, %broadcast_in_dim3A_1, %rem3A_141, %parallel_loop3A_398], %parallel_loop3A_404 : memref<8x1x8x129xf32, #tpu.memory_space<vmem>>[vector<16xi32>, vector<16xi32>, vector<16xi32>, vector<16xi32>], vector<16xf32>,
        %parallel_loop3A_405 = arith.index_cast %parallel_loop3A_397 : i32 to index
        %parallel_loop3A_406 = arith.constant 32 : index
        %parallel_loop3A_407 = tpu.vector_load %arg9[%parallel_loop3A_405, %parallel_loop3A_406] {strides = array<i32>} : memref<128x64xf32, #tpu.memory_space<vmem>>, vector<16xf32>,
        tpu.vector_store_idx %arg11[%select_n3A_95, %broadcast_in_dim3A_1, %rem3A_147, %parallel_loop3A_398], %parallel_loop3A_407 : memref<8x1x8x129xf32, #tpu.memory_space<vmem>>[vector<16xi32>, vector<16xi32>, vector<16xi32>, vector<16xi32>], vector<16xf32>,
        %parallel_loop3A_408 = arith.index_cast %parallel_loop3A_397 : i32 to index
        %parallel_loop3A_409 = arith.constant 48 : index
        %parallel_loop3A_410 = tpu.vector_load %arg9[%parallel_loop3A_408, %parallel_loop3A_409] {strides = array<i32>} : memref<128x64xf32, #tpu.memory_space<vmem>>, vector<16xf32>,
        tpu.vector_store_idx %arg11[%select_n3A_129, %broadcast_in_dim3A_1, %rem3A_153, %parallel_loop3A_398], %parallel_loop3A_410 : memref<8x1x8x129xf32, #tpu.memory_space<vmem>>[vector<16xi32>, vector<16xi32>, vector<16xi32>, vector<16xi32>], vector<16xf32>,
      } {sc.loop_unroll_factor = 8 : i64, sc.parallel_access}
      %dma_start3A_377 = arith.constant 0 : i32
      %dma_start3A_378 = arith.constant 0 : i32
      %dma_start3A_379 = arith.constant 0 : i32
      %dma_start3A_380 = arith.constant 0 : i32
      %dma_start3A_381 = tpu.memref_slice %arg11[%dma_start3A_377, %dma_start3A_378, %dma_start3A_379, %dma_start3A_380] : memref<8x1x8x129xf32, #tpu.memory_space<vmem>> -> memref<8x1x8x128xf32, #tpu.memory_space<vmem>>
      %dma_start3A_382 = arith.constant 0 : i32
      %dma_start3A_383 = arith.constant 0 : i32
      %dma_start3A_384 = arith.constant 0 : i32
      %dma_start3A_385 = tpu.memref_slice %arg4[%add3A_355, %dma_start3A_382, %add3A, %dma_start3A_383, %dma_start3A_384] : memref<200x8x32x8x128xf32, #tpu.memory_space<hbm>> -> memref<1x8x1x8x128xf32, #tpu.memory_space<hbm>>
      %dma_start3A_386 = tpu.memref_squeeze %dma_start3A_385 : memref<1x8x1x8x128xf32, #tpu.memory_space<hbm>> -> memref<8x1x8x128xf32, #tpu.memory_space<hbm>>
      %dma_start3A_387 = arith.constant 0 : i32
      %dma_start3A_388 = arith.constant 0 : i32
      %dma_start3A_389 = arith.constant 0 : i32
      %dma_start3A_390 = tpu.memref_slice %arg4[%add3A_355, %dma_start3A_387, %add3A, %dma_start3A_388, %dma_start3A_389] : memref<200x8x32x8x128xf32, #tpu.memory_space<hbm>> -> memref<1x8x1x8x128xf32, #tpu.memory_space<hbm>>
      %dma_start3A_391 = tpu.memref_squeeze %dma_start3A_390 : memref<1x8x1x8x128xf32, #tpu.memory_space<hbm>> -> memref<8x1x8x128xf32, #tpu.memory_space<hbm>>
      %dma_start3A_392 = arith.constant 0 : i32
      %dma_start3A_393 = arith.constant 0 : i32
      %dma_start3A_394 = arith.constant 0 : i32
      %dma_start3A_395 = arith.constant 0 : i32
      %dma_start3A_396 = tpu.memref_slice %arg11[%dma_start3A_392, %dma_start3A_393, %dma_start3A_394, %dma_start3A_395] : memref<8x1x8x129xf32, #tpu.memory_space<vmem>> -> memref<8x1x8x128xf32, #tpu.memory_space<vmem>>
      tpu.enqueue_dma source(%dma_start3A_396 : memref<8x1x8x128xf32, #tpu.memory_space<vmem>>) target(%dma_start3A_391 : memref<8x1x8x128xf32, #tpu.memory_space<hbm>>) target_semaphore(%arg17 : memref<!tpu.dma_semaphore, #tpu.memory_space<semaphore_mem>>)
    }
    %scan3A_183 = arith.constant 50 : i32
    %dma_wait3A = arith.constant 0 : i32
    %dma_wait3A_184 = arith.constant 0 : i32
    %dma_wait3A_185 = arith.constant 0 : i32
    %dma_wait3A_186 = arith.constant 0 : i32
    %dma_wait3A_187 = arith.constant 0 : i32
    %dma_wait3A_188 = tpu.memref_slice %arg10[%dma_wait3A_184, %dma_wait3A_185, %dma_wait3A_186, %dma_wait3A_187] : memref<8x1x8x129xf32, #tpu.memory_space<vmem>> -> memref<8x1x8x128xf32, #tpu.memory_space<vmem>>
    %dma_wait3A_189 = arith.constant 0 : i32
    %dma_wait3A_190 = arith.constant 0 : i32
    %dma_wait3A_191 = arith.constant 0 : i32
    %dma_wait3A_192 = tpu.memref_slice %arg4[%dma_wait3A, %dma_wait3A_189, %add3A, %dma_wait3A_190, %dma_wait3A_191] : memref<200x8x32x8x128xf32, #tpu.memory_space<hbm>> -> memref<1x8x1x8x128xf32, #tpu.memory_space<hbm>>
    %dma_wait3A_193 = tpu.memref_squeeze %dma_wait3A_192 : memref<1x8x1x8x128xf32, #tpu.memory_space<hbm>> -> memref<8x1x8x128xf32, #tpu.memory_space<hbm>>
    %dma_wait3A_194 = arith.constant 0 : i32
    %dma_wait3A_195 = arith.constant 0 : i32
    %dma_wait3A_196 = arith.constant 0 : i32
    %dma_wait3A_197 = tpu.memref_slice %arg4[%dma_wait3A, %dma_wait3A_194, %add3A, %dma_wait3A_195, %dma_wait3A_196] : memref<200x8x32x8x128xf32, #tpu.memory_space<hbm>> -> memref<1x8x1x8x128xf32, #tpu.memory_space<hbm>>
    %dma_wait3A_198 = tpu.memref_squeeze %dma_wait3A_197 : memref<1x8x1x8x128xf32, #tpu.memory_space<hbm>> -> memref<8x1x8x128xf32, #tpu.memory_space<hbm>>
    %dma_wait3A_199 = arith.constant 0 : i32
    %dma_wait3A_200 = arith.constant 0 : i32
    %dma_wait3A_201 = arith.constant 0 : i32
    %dma_wait3A_202 = arith.constant 0 : i32
    %dma_wait3A_203 = tpu.memref_slice %arg10[%dma_wait3A_199, %dma_wait3A_200, %dma_wait3A_201, %dma_wait3A_202] : memref<8x1x8x129xf32, #tpu.memory_space<vmem>> -> memref<8x1x8x128xf32, #tpu.memory_space<vmem>>
    tpu.wait_dma2 semaphore(%arg16 : memref<!tpu.dma_semaphore, #tpu.memory_space<semaphore_mem>>) src(%dma_wait3A_203 : memref<8x1x8x128xf32, #tpu.memory_space<vmem>>) dst(%dma_wait3A_198 : memref<8x1x8x128xf32, #tpu.memory_space<hbm>>)
    %dma_wait3A_204 = arith.constant 0 : i32
    %dma_wait3A_205 = arith.constant 0 : i32
    %dma_wait3A_206 = arith.constant 0 : i32
    %dma_wait3A_207 = arith.constant 0 : i32
    %dma_wait3A_208 = arith.constant 0 : i32
    %dma_wait3A_209 = tpu.memref_slice %arg11[%dma_wait3A_205, %dma_wait3A_206, %dma_wait3A_207, %dma_wait3A_208] : memref<8x1x8x129xf32, #tpu.memory_space<vmem>> -> memref<8x1x8x128xf32, #tpu.memory_space<vmem>>
    %dma_wait3A_210 = arith.constant 0 : i32
    %dma_wait3A_211 = arith.constant 0 : i32
    %dma_wait3A_212 = arith.constant 0 : i32
    %dma_wait3A_213 = tpu.memref_slice %arg4[%dma_wait3A_204, %dma_wait3A_210, %add3A, %dma_wait3A_211, %dma_wait3A_212] : memref<200x8x32x8x128xf32, #tpu.memory_space<hbm>> -> memref<1x8x1x8x128xf32, #tpu.memory_space<hbm>>
    %dma_wait3A_214 = tpu.memref_squeeze %dma_wait3A_213 : memref<1x8x1x8x128xf32, #tpu.memory_space<hbm>> -> memref<8x1x8x128xf32, #tpu.memory_space<hbm>>
    %dma_wait3A_215 = arith.constant 0 : i32
    %dma_wait3A_216 = arith.constant 0 : i32
    %dma_wait3A_217 = arith.constant 0 : i32
    %dma_wait3A_218 = tpu.memref_slice %arg4[%dma_wait3A_204, %dma_wait3A_215, %add3A, %dma_wait3A_216, %dma_wait3A_217] : memref<200x8x32x8x128xf32, #tpu.memory_space<hbm>> -> memref<1x8x1x8x128xf32, #tpu.memory_space<hbm>>
    %dma_wait3A_219 = tpu.memref_squeeze %dma_wait3A_218 : memref<1x8x1x8x128xf32, #tpu.memory_space<hbm>> -> memref<8x1x8x128xf32, #tpu.memory_space<hbm>>
    %dma_wait3A_220 = arith.constant 0 : i32
    %dma_wait3A_221 = arith.constant 0 : i32
    %dma_wait3A_222 = arith.constant 0 : i32
    %dma_wait3A_223 = arith.constant 0 : i32
    %dma_wait3A_224 = tpu.memref_slice %arg11[%dma_wait3A_220, %dma_wait3A_221, %dma_wait3A_222, %dma_wait3A_223] : memref<8x1x8x129xf32, #tpu.memory_space<vmem>> -> memref<8x1x8x128xf32, #tpu.memory_space<vmem>>
    tpu.wait_dma2 semaphore(%arg17 : memref<!tpu.dma_semaphore, #tpu.memory_space<semaphore_mem>>) src(%dma_wait3A_224 : memref<8x1x8x128xf32, #tpu.memory_space<vmem>>) dst(%dma_wait3A_219 : memref<8x1x8x128xf32, #tpu.memory_space<hbm>>)
    return
  }
}

</mosaic_0001>

<sc_bundles>
// kernel: kernel.3.cloned.1.call-start
scs
__scs_entry_jumppad:
0x0: {  	(pc) =	sbr.rel $0x88, $3  }
0x1: {  	(tag) =	ssettag $0x0;
	lr =	simm.s32 $0x1  }
0x2: {  	[smem:$0x3F9F] =	sst lr;
	_ =	strace $0xD0000000  }
0x3: {  	_ = 	snop  }
0x4: {  	_ = 	snop  }
0x5: {  	_ = 	snop  }
0x6: {  	_ = 	snop  }
0x7: {  	_ = 	snop  }
__scs_overlays_trampoline_lowered:
0x8: {  	[smem:$0x3FAE] =	sst s0  }
0x9: {  	[smem:$0x3FAF] =	sst s1  }
0xa: {  	[smem:$0x3FB0] =	sst s2  }
0xb: {  	[smem:$0x3FB1] =	sst s3  }
0xc: {  	[smem:$0x3FB2] =	sst s4  }
0xd: {  	[smem:$0x3FB3] =	sst s5  }
0xe: {  	[smem:$0x3FB4] =	sst s6  }
0xf: {  	[smem:$0x3FB5] =	sst s7  }
0x10: {  	[smem:$0x3FB6] =	sst s8  }
0x11: {  	[smem:$0x3FB7] =	sst s9;
	s0 =	simm.s32 @!p0 $0x0  }
0x12: {  	s1 =	sld [smem:$0x3F9D];
	s0 =	simm.s32 @p0 $0x1  }
0x13: {  	[smem:$0x3FB8] =	sst s0;
	s0 =	simm.s32 @!p1 $0x0  }
0x14: {  	s2 =	sld [smem:$0x3F9C];
	s0 =	simm.s32 @p1 $0x1  }
0x15: {  	[smem:$0x3FB9] =	sst s0;
	s0 =	simm.s32 @!p2 $0x0  }
0x16: {  	s3 =	sld [smem:$0x3FDB];
	s0 =	simm.s32 @p2 $0x1  }
0x17: {  	s4 =	simm.s32 $0x1BF5;
	[smem:$0x3FBB] =	sst s0  }
0x18: {  	s0 =	sld [smem:$0x3F9E];
	_ =	swait.ge [sflag:s4], $0x0  }
0x19: {  	s7 =	sld [smem:$0x3F9F]  }
0x1a: {  	s8 =	sadd.s32 $0xFFFFE003, lr  }
0x1b: {  	s9 =	sadd.s32 $0xFFFFFEF7, lr;
	s5 =	simm.s32 $0xFFFFFFFF;
	p2 =	slt.u32 s8, $0xFFFFF086  }
0x1c: {  	p1 =	slt.u32 s9, $0xF7A;
	s5 =	simm.s32 @!p2 $0x0  }
0x1d: {  	s5 =	simm.s32 @p1 $0x1;
	p0 =	seq.s32 s7, s2  }
0x1e: {  	s7 =	smul.u32 @!p0 $0xF7A, s2;
	p2 =	seq.s32 @!p0 s5, $0x0  }
0x1f: {  	s9 =	smul.u32 $0xF7A, s1;
	s8 =	simm.s32 @!p0 $0x1BF5;
	p2 =	por !p2, p0  }
0x20: {  	[sflag:s8] =	ssyncset.s32 @!p0 $0xFFFFF086;
	s6 =	sadd.s32 @!p0 s3, s7;
	s7 =	simm.s32 @!p0 $0x108  }
0x21: {  	s3 =	sadd.s32 s3, s9;
	s6 =	sadd.s32 @!p0 $0x88, s6;
	s7 =	simm.s32 @p2 $0x1082  }
0x22: {  	[simem:s7], [sflag:s8] =	dma.local @!p0 [hbm:s6], $0xF7A  }
0x23: {  	s9 =	sor.u32 $0xD0000000, s2;
	s6 =	simm.s32 $0x108;
	_ =	swait.ge @!p0 [sflag:s8], $0x0  }
0x24: {  	s3 =	sadd.s32 $0x88, s3;
	s6 =	simm.s32 @!p1 $0x1082;
	[sflag:s4] =	ssyncset.s32 $0xFFFFF086  }
0x25: {  	[simem:s6], [sflag:s4] =	dma.local [hbm:s3], $0xF7A  }
0x26: {  	[smem:$0x3F9F] =	sst s1;
	(tag) =	ssettag s2;
	_ =	strace s9  }
0x27: {  	s1 =	sld [smem:$0x3FAF]  }
0x28: {  	s2 =	sld [smem:$0x3FB0]  }
0x29: {  	s4 =	sld [smem:$0x3FB2]  }
0x2a: {  	p0 =	seq.s32 s5, $0x0;
	s5 =	sld [smem:$0x3FB3]  }
0x2b: {  	s6 =	sld [smem:$0x3FB4]  }
0x2c: {  	s7 =	sld [smem:$0x3FB5]  }
0x2d: {  	s3 =	simm.s32 $0x108;
	s8 =	sld [smem:$0x3FB6]  }
0x2e: {  	s3 =	simm.s32 @!p0 $0x1082;
	s9 =	sld [smem:$0x3FB7]  }
0x2f: {  	lr =	sadd.s32 s0, s3;
	s0 =	sld [smem:$0x3FAE]  }
0x30: {  	s3 =	sld [smem:$0x3FB1]  }
0x31: {  	[smem:$0x3FBA] =	sst s10  }
0x32: {  	s10 =	sld [smem:$0x3FB8];
	_ =	sdelay $0x3  }
0x33: {  	p0 =	seq.s32 s10, $0x1;
	s10 =	sld [smem:$0x3FBA];
	_ =	sdelay $0x3  }
0x34: {  	[smem:$0x3FBA] =	sst s10  }
0x35: {  	s10 =	sld [smem:$0x3FB9];
	_ =	sdelay $0x3  }
0x36: {  	p1 =	seq.s32 s10, $0x1;
	s10 =	sld [smem:$0x3FBA];
	_ =	sdelay $0x3  }
0x37: {  	[smem:$0x3FBA] =	sst s10  }
0x38: {  	s10 =	sld [smem:$0x3FBB]  }
0x39: {  	_ = 	snop;
	(pc) =	sbr.ind lr, $3  }
0x3a: {  	_ = 	snop  }
0x3b: {  	_ = 	snop  }
0x3c: {  	p2 =	seq.s32 s10, $0x1;
	s10 =	sld [smem:$0x3FBA]  }
0x3d: {  	_ =	shalt  }
0x3e: {  	_ =	shalt  }
0x3f: {  	_ =	shalt  }
0x40: {  	_ =	shalt  }
0x41: {  	_ =	shalt  }
0x42: {  	_ =	shalt  }
0x43: {  	_ =	shalt  }
0x44: {  	_ =	shalt  }
0x45: {  	_ =	shalt  }
0x46: {  	_ =	shalt  }
0x47: {  	_ =	shalt  }
0x48: {  	_ =	shalt  }
0x49: {  	_ =	shalt  }
0x4a: {  	_ =	shalt  }
0x4b: {  	_ =	shalt  }
0x4c: {  	_ =	shalt  }
0x4d: {  	_ =	shalt  }
0x4e: {  	_ =	shalt  }
0x4f: {  	_ =	shalt  }
0x50: {  	_ =	shalt  }
0x51: {  	_ =	shalt  }
0x52: {  	_ =	shalt  }
0x53: {  	_ =	shalt  }
0x54: {  	_ =	shalt  }
0x55: {  	_ =	shalt  }
0x56: {  	_ =	shalt  }
0x57: {  	_ =	shalt  }
0x58: {  	_ =	shalt  }
0x59: {  	_ =	shalt  }
0x5a: {  	_ =	shalt  }
0x5b: {  	_ =	shalt  }
0x5c: {  	_ =	shalt  }
0x5d: {  	_ =	shalt  }
0x5e: {  	_ =	shalt  }
0x5f: {  	_ =	shalt  }
0x60: {  	_ =	shalt  }
0x61: {  	_ =	shalt  }
0x62: {  	_ =	shalt  }
0x63: {  	_ =	shalt  }
0x64: {  	_ =	shalt  }
0x65: {  	_ =	shalt  }
0x66: {  	_ =	shalt  }
0x67: {  	_ =	shalt  }
0x68: {  	_ =	shalt  }
0x69: {  	_ =	shalt  }
0x6a: {  	_ =	shalt  }
0x6b: {  	_ =	shalt  }
0x6c: {  	_ =	shalt  }
0x6d: {  	_ =	shalt  }
0x6e: {  	_ =	shalt  }
0x6f: {  	_ =	shalt  }
0x70: {  	_ =	shalt  }
0x71: {  	_ =	shalt  }
0x72: {  	_ =	shalt  }
0x73: {  	_ =	shalt  }
0x74: {  	_ =	shalt  }
0x75: {  	_ =	shalt  }
0x76: {  	_ =	shalt  }
0x77: {  	_ =	shalt  }
0x78: {  	_ =	shalt  }
0x79: {  	_ =	shalt  }
0x7a: {  	_ =	shalt  }
0x7b: {  	_ =	shalt  }
0x7c: {  	_ =	shalt  }
0x7d: {  	_ =	shalt  }
0x7e: {  	_ =	shalt  }
0x7f: {  	_ =	shalt  }
0x80: {  	_ =	shalt  }
0x81: {  	_ =	shalt  }
0x82: {  	_ =	shalt  }
0x83: {  	_ =	shalt  }
0x84: {  	_ =	shalt  }
0x85: {  	_ =	shalt  }
0x86: {  	_ =	shalt  }
0x87: {  	_ =	shalt  }
.Lfunc_end0:
.L_simem_size_0:
called_computation_lowered:
.L_overlay_start_0:
0x88: {  	s2 =	sld [smem:$0x3FD9]  }
0x89: {  	s3 =	sld [smem:$0x3FFE];
	_ =	sdelay $0x1  }
0x8a: {  	s1 =	srdreg.scid  }
0x8b: {  	s0 =	sand.u32 $0x1, s1  }
0x8c: {  	s17 =	sshll.u32 s0, $0xA;
	s2 =	sadd.s32 s3, s2  }
0x8d: {  	s2 =	sadd.s32 s2, s17  }
0x8e: {  	[smem:$0x3FC6] =	sst s2  }
0x8f: {  	_ = 	snop  }
0x90: {  	s2 =	sld [smem:$0x3FC9]  }
0x91: {  	s18 =	sld [smem:$0x3FD0];
	(tm) =	ssettm $0x1  }
0x92: {  	s4 =	sld [smem:$0x3FFB];
	_ =	sdelay $0x3  }
0x93: {  	_ =	strace s4  }
0x94: {  	s4 =	sld [smem:$0x3FFC];
	_ =	sdelay $0x3  }
0x95: {  	_ =	strace s4  }
0x96: {  	s4 =	sld [smem:$0x3FFD];
	_ =	sdelay $0x3  }
0x97: {  	_ =	strace s4  }
0x98: {  	_ =	strace $0x8FFFFFFF  }
0x99: {  	s19 =	sld [smem:$0x3FDB];
	_ =	sdelay $0x1  }
0x9a: {  	s5 =	simm.s32 $_scs_section_size  }
0x9b: {  	s6 =	simm.s32 $_size__tile_overlayer_lowered;
	s7 =	simm.s32 $_tile_overlayer_lowered  }
0x9c: {  	s22 =	simm.s32 $0x1BFF;
	s21 =	sshll.u32 s7, $0x1;
	s4 =	sadd.s32 s5, s19  }
0x9d: {  	s8 =	simm.s32 $0x0;
	s20 =	sshll.u32 s6, $0x1;
	s6 =	sadd.s32 s21, s4  }
0x9e: {  	[timem:s8], [sflag:s22] =	dma.local [hbm:s6], s20  }
0x9f: {  	_ =	swait.ge [sflag:s22], s20  }
0xa0: {  	s5 =	ssub.s32 $0x0, s20;
	[sflag:s22] =	ssyncset.done $0x0  }
0xa1: {  	[sflag:s22] =	ssyncadd.s32 s5;
	_ =	sdelay $0x1  }
0xa2: {  	s23 =	simm.s32 $0x1B8B  }
0xa3: {  	_ =	swait.ge [sflag:s23], $0x1  }
0xa4: {  	[sflag:s23] =	ssyncset.done $0x0  }
0xa5: {  	s25 =	simm.s32 $0x1B8E;
	s24 =	sld [smem:$0x3FFE];
	[sflag:s23] =	ssyncadd.s32 $0xFFFFFFFF  }
0xa6: {  	s26 =	simm.s32 $execute0_lowered;
	[smem:$0x3FD2] =	sst s25  }
0xa7: {  	s6 =	sshll.u32 s26, $0x1;
	_ =	strace $0x80000046;
	[dreg:$0x1] =	wrdreg $0xFFFFFFFF  }
0xa8: {  	s28 =	simm.s32 $_size_execute0_lowered;
	s4 =	sadd.s32 s4, s6;
	[dreg:$0x0] =	wrdreg $0x0  }
0xa9: {  	s6 =	sshll.u32 s28, $0x1;
	[dreg:$0x2] =	wrdreg s4  }
0xaa: {  	[dreg:$0x3] =	wrdreg s6  }
0xab: {  	[dreg:$0x4] =	wrdreg $0xC0  }
0xac: {  	_ =	task [dreg:s8], $0x5FFFF  }
0xad: {  	[dreg:$0x1] =	wrdreg $0xFFFFFFFF  }
0xae: {  	[dreg:$0x0] =	wrdreg $0x60  }
0xaf: {  	[dreg:$0x2] =	wrdreg s2  }
0xb0: {  	[dreg:$0x3] =	wrdreg s24  }
0xb1: {  	[dreg:$0x4] =	wrdreg s18  }
0xb2: {  	[dreg:$0x5] =	wrdreg $0x9  }
0xb3: {  	_ =	task.clear_ibuf [dreg:s8], $0x6FFFF;
	_ =	strace $0x90000046  }
0xb4: {  	s29 =	simm.s32 $0x9;
	_ =	strace $0x80000048  }
0xb5: {  	_ =	swait.ge [sflag:s29], $0x1  }
0xb6: {  	[sflag:s29] =	ssyncadd.s32 $0xFFFFFFFF  }
0xb7: {  	_ =	strace $0x90000048  }
0xb8: {  	_ =	sfence  }
0xb9: {  	s30 =	sld [smem:$0x0];
	_ =	sdelay $0x2  }
0xba: {  	s31 =	sshll.u32 s1, $0xD;
	s1 =	sshrl.u32 s1, $0x2  }
0xbb: {  	s3 =	sand.u32 $0x4000, s31;
	s1 =	sadd.s32 s1, s30  }
0xbc: {  	s0 =	sor.u32 s3, s0;
	s1 =	sshll.u32 s1, $0x11  }
0xbd: {  	s0 =	sor.u32 s1, s0  }
0xbe: {  	s0 =	sadd.s32 $0x8F2B, s0  }
0xbf: {  	[sflag:s0] =	ssyncadd.remote.s32 $0x1  }
0xc0: {  	_ =	sfence.sel $0xFFFF  }
0xc1: {  	[dreg:$0x0] =	wrdreg $0xFFFFFFFF;
	(pc) =	sbr.abs _section_cstart, $3  }
0xc2: {  	[dreg:$0x1] =	wrdreg $0xFFFFFFFF  }
0xc3: {  	_ =	task.clear_ibuf [dreg:s8], $0x2FFFF;
	_ =	strace $0x9FFFFFFF  }
0xc4: {  	(tm) =	ssettm $0x7FFFFFFF  }
0xc5: {  	_ =	shalt  }
tec
execute0_lowered:
.L_overlay_start_1:
0x0: {  	(tag) =	ssettag $0x1  }
0x1: {  	v0 =	vlaneseq.u32  }
0x2: {  	s0 =	rddreg [dreg:$0x0];
	v0 =	vmul.u32 $0x88, v0  }
0x3: {  	s1 =	rddreg [dreg:$0x1];
	v1 =	vimm.s32 $0x0;
	vm0 =	vcmask $0x300  }
0x4: {  	s2 =	rddreg [dreg:$0x2];
	s3 =	srdreg.scid;
	v1 =	vsel vm0, $0x3, v1;
	v2 =	vadd.s32 $0x880, v0  }
0x5: {  	s5 =	stileid.u32;
	s12 =	simm.s32 $0x7;
	s13 =	simm.s32 $0x80;
	v3 =	vadd.s32 $0x1100, v0;
	v4 =	vadd.s32 $0x1980, v0;
	v5 =	vor.u32 $0x1, v0  }
0x6: {  	s14 =	simm.s32 $0x6400;
	s18 =	simm.s32 $0xC400;
	s19 =	simm.s32 $0x1;
	v6 =	vadd.s32 $0x881, v0;
	v7 =	vadd.s32 $0x1101, v0;
	v8 =	vadd.s32 $0x1981, v0  }
0x7: {  	s20 =	simm.s32 $0xE400;
	s21 =	simm.s32 $0x2;
	s22 =	simm.s32 $0x6;
	v9 =	vor.u32 $0x2, v0;
	v10 =	vadd.s32 $0x882, v0;
	v11 =	vadd.s32 $0x1102, v0  }
0x8: {  	s23 =	simm.s32 $0x10600;
	s24 =	simm.s32 $0x3;
	s25 =	simm.s32 $0x5;
	v12 =	vadd.s32 $0x1982, v0;
	v13 =	vor.u32 $0x3, v0;
	v14 =	vadd.s32 $0x883, v0  }
0x9: {  	s26 =	simm.s32 $0x4;
	s28 =	simm.s32 $0x0;
	s4 =	sand.u32 $0x1, s3;
	v15 =	vadd.s32 $0x1103, v0;
	v16 =	vadd.s32 $0x1983, v0;
	v17 =	vor.u32 $0x4, v0  }
0xa: {  	s3 =	simm.s32 $0x0;
	s5 =	sshll.u32 s5, $0xB;
	s6 =	sshll.u32 s4, $0xA;
	v18 =	vadd.s32 $0x884, v0;
	v19 =	vadd.s32 $0x1104, v0;
	v20 =	vadd.s32 $0x1984, v0  }
0xb: {  	[smem:$0x7FF] =	sst s3;
	s7 =	ssub.s32 $0x2, s4;
	s4 =	sor.u32 s6, s5;
	v21 =	vor.u32 $0x5, v0;
	v22 =	vadd.s32 $0x885, v0;
	v23 =	vadd.s32 $0x1105, v0  }
0xc: {  	_ =	strace $0x80000047;
	s30 =	sshrl.u32 s7, $0x1;
	s5 =	sadd.s32 $0x400, s1;
	v24 =	vadd.s32 $0x1985, v0;
	v25 =	vor.u32 $0x6, v0;
	v26 =	vadd.s32 $0x886, v0  }
0xd: {  	v27 =	vadd.s32 $0x1106, v0;
	v28 =	vadd.s32 $0x1986, v0;
	v29 =	vor.u32 $0x7, v0;
	s8 =	sshrl.u32 s4, $0x3;
	s31 =	ssub.s32 s7, s30;
	s7 =	sadd.s32 $0x8000, s2  }
0xe: {  	v30 =	vadd.s32 $0x887, v0;
	v31 =	vadd.s32 $0x1107, v0;
	v32 =	vadd.s32 $0x1987, v0;
	s6 =	sadd.s32 s0, s8;
	s8 =	sadd.s32 $0x10000, s2;
	s9 =	smax.u32 s31, $0x1  }
.LBB2_1:
0xf: {  	s0 =	simm.s32 $0x400;
	s1 =	simm.s32 $0x8000  }
0x10: {  	[tilespmem:s3], [sflag:$0x7] =	stream.strided.gather [hbm4b:s6+s0], $0x6400, s1, s0, $0x38;
	[tilespmem:$0x12800] =	vst v63  }
0x11: {  	_ =	swait.ge [sflag:s12], $0x6400  }
0x12: {  	[sflag:s12] =	ssyncset.done $0x0  }
0x13: {  	[sflag:s12] =	ssyncadd.s32 $0xFFFF9C00  }
0x14: {  	[tilespmem:s14], [sflag:$0x1] =	stream.indirect.gather [hbm4b:s5+s13], $0x40, s3, s13, $0xb8;
	[tilespmem:$0x12800] =	vst v63  }
0x15: {  	s17 =	simm.s32 $0x8400  }
0x16: {  	[tilespmem:s17], [sflag:$0x2] =	stream.indirect.gather [hbm4b:s5+s13], $0x40, s13, s13, $0xb8;
	[tilespmem:$0x12800] =	vst v63  }
0x17: {  	s30 =	simm.s32 $0x100;
	s31 =	simm.s32 $0xA400;
	s29 =	simm.s32 $0x0  }
0x18: {  	[tilespmem:s31], [sflag:$0x3] =	stream.indirect.gather [hbm4b:s5+s13], $0x40, s30, s13, $0xb8;
	[tilespmem:$0x12800] =	vst v63  }
.LBB2_2:
0x19: {  	s30 =	sshllo.u32 s29, $0x2;
	s1 =	sshll.u32 s29, $0x9  }
0x1a: {  	s11 =	simm.s32 $0x0;
	s15 =	simm.s32 $0x1;
	s0 =	sshll.u32 s30, $0x7  }
0x1b: {  	s16 =	simm.s32 $0x2;
	s1 =	sand.u32 $0x7C00, s1;
	s0 =	sand.u32 $0x380, s0  }
0x1c: {  	s17 =	simm.s32 $0x3;
	s10 =	simm.s32 $0x7;
	v33 =	vmov s11;
	s0 =	sor.u32 s0, s1  }
0x1d: {  	v34 =	vmov s15;
	v35 =	vmov s16;
	[tilespmem:s18], [sflag:$0x4] =	stream.indirect.gather [hbm4b:s5+s13], $0x40, s0, s13, $0xb8;
	[tilespmem:$0x12800] =	vst v63  }
0x1e: {  	s11 =	simm.s32 $0x4;
	v36 =	vmov s17;
	s15 =	simm.s32 $0x5;
	v38 =	vmov s10;
	v33 =	vshrl.u32 v33, $0x3;
	_ =	swait.ge [sflag:s19], $0x2000  }
0x1f: {  	p0 =	seq.s32 s29, $0x0;
	s16 =	simm.s32 $0x6;
	v37 =	vmov s11;
	v39 =	vmov s15;
	v38 =	vshrl.u32 v38, $0x3;
	[sflag:s19] =	ssyncset.done $0x0  }
0x20: {  	v40 =	vmov s16;
	v34 =	vshrl.u32 v34, $0x3;
	v35 =	vshrl.u32 v35, $0x3;
	s1 =	simm.s32 @!p0 $0x5;
	[sflag:s19] =	ssyncadd.s32 $0xFFFFE000  }
0x21: {  	v36 =	vshrl.u32 v36, $0x3;
	v33 =	vshll.u32 v33, v1;
	v38 =	vshll.u32 v38, v1;
	_ =	swait.ge @!p0 [sflag:s1], $0x2000  }
0x22: {  	v37 =	vshrl.u32 v37, $0x3;
	v34 =	vshll.u32 v34, v1;
	v38 =	vbroadcast v38, $0x0;
	[sflag:s1] =	ssyncset.done @!p0 $0x0  }
0x23: {  	s31 =	simm.s32 $0x6500;
	v51 =	vshll.u32 v35, v1;
	v52 =	vshll.u32 v36, v1;
	v33 =	vbroadcast v33, $0x0;
	[sflag:s1] =	ssyncadd.s32 @!p0 $0xFFFFE000  }
0x24: {  	v55 =	vshrl.u32 v39, $0x3;
	v47 =	vbroadcast v34, $0x0;
	v42 =	vadd.s32 v29, v38;
	v41 =	vld [tilespmem:s31+$0xC0]  }
0x25: {  	v40 =	vshrl.u32 v40, $0x3;
	v53 =	vbroadcast v51, $0x0;
	v44 =	vadd.s32 v0, v33;
	v43 =	vld [tilespmem:s31+$0xFFFFFF00]  }
0x26: {  	v35 =	vbroadcast v52, $0x0;
	v54 =	vshll.u32 v37, v1;
	v46 =	vadd.s32 v5, v47;
	v45 =	vld [tilespmem:s31+$0xFFFFFF40]  }
0x27: {  	v36 =	vshll.u32 v55, v1;
	v34 =	vbroadcast v54, $0x0;
	v49 =	vadd.s32 v9, v53;
	v48 =	vld [tilespmem:s31+$0xFFFFFF80]  }
0x28: {  	v56 =	vshll.u32 v40, v1;
	v37 =	vbroadcast v36, $0x0;
	v50 =	vadd.s32 v13, v35;
	v39 =	vld [tilespmem:s31+$0xFFFFFFC0]  }
0x29: {  	v36 =	vbroadcast v56, $0x0;
	v52 =	vadd.s32 v17, v34;
	v51 =	vld [tilespmem:s31+$0x0];
	[tilespmem:v42+s20+$0x0] =	vst.idx.msk $0xffff, v41  }
0x2a: {  	v60 =	vadd.s32 v21, v37;
	v59 =	vld [tilespmem:s31+$0x40];
	[tilespmem:v44+s20+$0x0] =	vst.idx.msk $0xffff, v43  }
0x2b: {  	v62 =	vadd.s32 v25, v36;
	v61 =	vld [tilespmem:s31+$0x80];
	[tilespmem:v46+s20+$0x0] =	vst.idx.msk $0xffff, v45  }
0x2c: {  	v58 =	vadd.s32 v30, v38;
	[tilespmem:v49+s20+$0x0] =	vst.idx.msk $0xffff, v48;
	v57 =	vld [tilespmem:s31+$0xD0]  }
0x2d: {  	v63 =	vadd.s32 v6, v47;
	[tilespmem:v50+s20+$0x0] =	vst.idx.msk $0xffff, v39;
	v46 =	vld [tilespmem:s31+$0xFFFFFF50]  }
0x2e: {  	v55 =	vadd.s32 v10, v53;
	[tilespmem:v52+s20+$0x0] =	vst.idx.msk $0xffff, v51;
	v54 =	vld [tilespmem:s31+$0xFFFFFF90]  }
0x2f: {  	v56 =	vadd.s32 v14, v35;
	[tilespmem:v60+s20+$0x0] =	vst.idx.msk $0xffff, v59;
	v50 =	vld [tilespmem:s31+$0xFFFFFFD0]  }
0x30: {  	[tilespmem:v62+s20+$0x0] =	vst.idx.msk $0xffff, v61;
	v45 =	vadd.s32 v22, v37;
	v44 =	vld [tilespmem:s31+$0x50]  }
0x31: {  	v59 =	vadd.s32 v18, v34;
	[tilespmem:v58+s20+$0x0] =	vst.idx.msk $0xffff, v57;
	v58 =	vld [tilespmem:s31+$0x10]  }
0x32: {  	v57 =	vadd.s32 v31, v38;
	[tilespmem:v63+s20+$0x0] =	vst.idx.msk $0xffff, v46;
	v40 =	vld [tilespmem:s31+$0xE0]  }
0x33: {  	v60 =	vadd.s32 v26, v36;
	[tilespmem:v55+s20+$0x0] =	vst.idx.msk $0xffff, v54;
	v63 =	vld [tilespmem:s31+$0x90]  }
0x34: {  	v62 =	vadd.s32 v2, v33;
	v61 =	vld [tilespmem:s31+$0xFFFFFF10];
	[tilespmem:v56+s20+$0x0] =	vst.idx.msk $0xffff, v50  }
0x35: {  	v51 =	vadd.s32 v7, v47;
	[tilespmem:v45+s20+$0x0] =	vst.idx.msk $0xffff, v44;
	v50 =	vld [tilespmem:s31+$0xFFFFFF60]  }
0x36: {  	v56 =	vadd.s32 v11, v53;
	v55 =	vld [tilespmem:s31+$0xFFFFFFA0];
	[tilespmem:v59+s20+$0x0] =	vst.idx.msk $0xffff, v58  }
0x37: {  	v58 =	vadd.s32 v15, v35;
	[tilespmem:v57+s20+$0x0] =	vst.idx.msk $0xffff, v40;
	v57 =	vld [tilespmem:s31+$0xFFFFFFE0]  }
0x38: {  	[tilespmem:v60+s20+$0x0] =	vst.idx.msk $0xffff, v63;
	v60 =	vadd.s32 v19, v34;
	v59 =	vld [tilespmem:s31+$0x20]  }
0x39: {  	s1 =	simm.s32 $0x9;
	v38 =	vadd.s32 v32, v38;
	[tilespmem:v62+s20+$0x0] =	vst.idx.msk $0xffff, v61;
	v54 =	vld [tilespmem:s31+$0xF0]  }
0x3a: {  	s17 =	simm.s32 $0x8;
	v41 =	vadd.s32 v23, v37;
	v52 =	vmov s1;
	[tilespmem:v51+s20+$0x0] =	vst.idx.msk $0xffff, v50;
	v40 =	vld [tilespmem:s31+$0x60]  }
0x3b: {  	s11 =	simm.s32 $0xB;
	s15 =	simm.s32 $0xC;
	v43 =	vadd.s32 v27, v36;
	v48 =	vadd.s32 v3, v33;
	v63 =	vmov s17;
	v42 =	vld [tilespmem:s31+$0xA0];
	[tilespmem:v56+s20+$0x0] =	vst.idx.msk $0xffff, v55  }
0x3c: {  	v44 =	vmov s11;
	v46 =	vmov s15;
	v45 =	vld [tilespmem:s31+$0xFFFFFF20];
	s17 =	simm.s32 $0xE;
	v39 =	vshrl.u32 v63, $0x3;
	[tilespmem:v58+s20+$0x0] =	vst.idx.msk $0xffff, v57  }
0x3d: {  	s10 =	simm.s32 $0xA;
	s16 =	simm.s32 $0xD;
	v51 =	vadd.s32 v8, v47;
	v49 =	vld [tilespmem:s31+$0xFFFFFF70];
	v47 =	vshll.u32 v39, v1;
	v39 =	vmov s17;
	[tilespmem:v60+s20+$0x0] =	vst.idx.msk $0xffff, v59  }
0x3e: {  	s0 =	sshll.u32 s29, $0x2;
	s1 =	simm.s32 $0x10;
	v53 =	vadd.s32 v12, v53;
	v50 =	vld [tilespmem:s31+$0xFFFFFFB0];
	[tilespmem:v38+s20+$0x0] =	vst.idx.msk $0xffff, v54;
	v54 =	vmov s10;
	v38 =	vmov s16;
	s10 =	simm.s32 $0xF  }
.LBB2_3:
0x3f: {  	p1 =	slt.u32 s1, $0x78;
	v52 =	vshrl.u32 v52, $0x3;
	v55 =	vmov s10;
	v56 =	vld [tilespmem:s31+$0xFFFFFFF0];
	v35 =	vadd.s32 v16, v35;
	[tilespmem:v41+s20+$0x0] =	vst.idx.msk $0xffff, v40  }
0x40: {  	v40 =	vshrl.u32 v54, $0x3;
	v34 =	vadd.s32 v20, v34;
	v41 =	vshrl.u32 v55, $0x3;
	v54 =	vld [tilespmem:s31+$0x30];
	[tilespmem:v43+s20+$0x0] =	vst.idx.msk $0xffff, v42  }
0x41: {  	v37 =	vadd.s32 v24, v37;
	v42 =	vshrl.u32 v44, $0x3;
	v41 =	vshll.u32 v41, v1;
	[tilespmem:v48+s20+$0x0] =	vst.idx.msk $0xffff, v45;
	v43 =	vld [tilespmem:s31+$0x70]  }
0x42: {  	v36 =	vadd.s32 v28, v36;
	v44 =	vshrl.u32 v46, $0x3;
	v41 =	vbroadcast v41, $0x0;
	[tilespmem:v51+s20+$0x0] =	vst.idx.msk $0xffff, v49;
	v45 =	vld [tilespmem:s31+$0xB0]  }
0x43: {  	v46 =	vshll.u32 v52, v1;
	v49 =	vadd.s32 v4, v33;
	v33 =	vbroadcast v47, $0x0;
	v48 =	vld [tilespmem:s31+$0xFFFFFF30];
	[tilespmem:v53+s20+$0x0] =	vst.idx.msk $0xffff, v50;
	s31 =	sadd.s32 $0x200, s31  }
0x44: {  	v40 =	vshll.u32 v40, v1;
	v47 =	vbroadcast v46, $0x0;
	v46 =	vld [tilespmem:s31+$0xC0];
	v50 =	vadd.s32 v29, v41;
	[tilespmem:v35+s20+$0x0] =	vst.idx.msk $0xffff, v56  }
0x45: {  	v53 =	vbroadcast v40, $0x0;
	v52 =	vadd.s32 v0, v33;
	v35 =	vshll.u32 v42, v1;
	v51 =	vld [tilespmem:s31+$0xFFFFFF00];
	[tilespmem:v34+s20+$0x0] =	vst.idx.msk $0xffff, v54  }
0x46: {  	v42 =	vadd.s32 v5, v47;
	v35 =	vbroadcast v35, $0x0;
	v34 =	vshll.u32 v44, v1;
	v40 =	vld [tilespmem:s31+$0xFFFFFF40];
	[tilespmem:v37+s20+$0x0] =	vst.idx.msk $0xffff, v43  }
0x47: {  	v44 =	vadd.s32 v9, v53;
	v34 =	vbroadcast v34, $0x0;
	v37 =	vshrl.u32 v38, $0x3;
	v43 =	vld [tilespmem:s31+$0xFFFFFF80];
	[tilespmem:v36+s20+$0x0] =	vst.idx.msk $0xffff, v45  }
0x48: {  	v39 =	vshrl.u32 v39, $0x3;
	v45 =	vadd.s32 v13, v35;
	v36 =	vshll.u32 v37, v1;
	v38 =	vld [tilespmem:s31+$0xFFFFFFC0];
	[tilespmem:v49+s20+$0x0] =	vst.idx.msk $0xffff, v48  }
0x49: {  	v49 =	vadd.s32 v17, v34;
	v37 =	vbroadcast v36, $0x0;
	v36 =	vshll.u32 v39, v1;
	v48 =	vld [tilespmem:s31+$0x0];
	[tilespmem:v50+s20+$0x0] =	vst.idx.msk $0xffff, v46  }
0x4a: {  	v36 =	vbroadcast v36, $0x0;
	v46 =	vadd.s32 v30, v41;
	[tilespmem:v52+s20+$0x0] =	vst.idx.msk $0xffff, v51;
	v39 =	vld [tilespmem:s31+$0xD0]  }
0x4b: {  	[tilespmem:v42+s20+$0x0] =	vst.idx.msk $0xffff, v40;
	v40 =	vld [tilespmem:s31+$0x40];
	v42 =	vadd.s32 v21, v37  }
0x4c: {  	[tilespmem:v44+s20+$0x0] =	vst.idx.msk $0xffff, v43;
	v43 =	vld [tilespmem:s31+$0x80];
	v44 =	vadd.s32 v25, v36  }
0x4d: {  	v51 =	vadd.s32 v6, v47;
	v50 =	vld [tilespmem:s31+$0xFFFFFF50];
	[tilespmem:v45+s20+$0x0] =	vst.idx.msk $0xffff, v38  }
0x4e: {  	v45 =	vadd.s32 v10, v53;
	v38 =	vld [tilespmem:s31+$0xFFFFFF90];
	[tilespmem:v49+s20+$0x0] =	vst.idx.msk $0xffff, v48  }
0x4f: {  	v49 =	vadd.s32 v14, v35;
	v48 =	vld [tilespmem:s31+$0xFFFFFFD0];
	[tilespmem:v46+s20+$0x0] =	vst.idx.msk $0xffff, v39  }
0x50: {  	[tilespmem:v42+s20+$0x0] =	vst.idx.msk $0xffff, v40;
	v39 =	vld [tilespmem:s31+$0xE0];
	v40 =	vadd.s32 v31, v41  }
0x51: {  	v46 =	vadd.s32 v18, v34;
	v42 =	vld [tilespmem:s31+$0x10];
	[tilespmem:v44+s20+$0x0] =	vst.idx.msk $0xffff, v43  }
0x52: {  	v44 =	vadd.s32 v22, v37;
	[tilespmem:v51+s20+$0x0] =	vst.idx.msk $0xffff, v50;
	v43 =	vld [tilespmem:s31+$0x50]  }
0x53: {  	[tilespmem:v45+s20+$0x0] =	vst.idx.msk $0xffff, v38;
	v38 =	vld [tilespmem:s31+$0x90];
	v45 =	vadd.s32 v26, v36  }
0x54: {  	v51 =	vadd.s32 v2, v33;
	v50 =	vld [tilespmem:s31+$0xFFFFFF10];
	[tilespmem:v49+s20+$0x0] =	vst.idx.msk $0xffff, v48  }
0x55: {  	v49 =	vadd.s32 v7, v47;
	v48 =	vld [tilespmem:s31+$0xFFFFFF60];
	[tilespmem:v40+s20+$0x0] =	vst.idx.msk $0xffff, v39  }
0x56: {  	[tilespmem:v46+s20+$0x0] =	vst.idx.msk $0xffff, v42;
	v39 =	vld [tilespmem:s31+$0xF0];
	v46 =	vadd.s32 v32, v41  }
0x57: {  	v56 =	vadd.s32 v11, v53;
	v55 =	vld [tilespmem:s31+$0xFFFFFFA0];
	[tilespmem:v44+s20+$0x0] =	vst.idx.msk $0xffff, v43  }
0x58: {  	v58 =	vadd.s32 v15, v35;
	v57 =	vld [tilespmem:s31+$0xFFFFFFE0];
	[tilespmem:v45+s20+$0x0] =	vst.idx.msk $0xffff, v38  }
0x59: {  	v60 =	vadd.s32 v19, v34;
	[tilespmem:v51+s20+$0x0] =	vst.idx.msk $0xffff, v50;
	v59 =	vld [tilespmem:s31+$0x20]  }
.Ltmp0:
0x5a: {  	s10 =	sadd.s32 $0x1, s1;
	v41 =	vadd.s32 v23, v37;
	v38 =	vmov s1;
	[tilespmem:v49+s20+$0x0] =	vst.idx.msk $0xffff, v48;
	v40 =	vld [tilespmem:s31+$0x60];
	(pc) =	sbr.rel @p1 .LBB2_3-.Ltmp0, $4  }
0x5b: {  	s11 =	sadd.s32 $0x3, s1;
	v52 =	vmov s10;
	s10 =	sadd.s32 $0x2, s1;
	v43 =	vadd.s32 v27, v36;
	v50 =	vshrl.u32 v38, $0x3;
	v42 =	vld [tilespmem:s31+$0xA0];
	[tilespmem:v46+s20+$0x0] =	vst.idx.msk $0xffff, v39  }
0x5c: {  	v54 =	vmov s10;
	s10 =	sadd.s32 $0x4, s1;
	v44 =	vmov s11;
	s11 =	sadd.s32 $0x5, s1;
	v48 =	vadd.s32 v3, v33;
	v45 =	vld [tilespmem:s31+$0xFFFFFF20];
	[tilespmem:v56+s20+$0x0] =	vst.idx.msk $0xffff, v55  }
0x5d: {  	v38 =	vmov s11;
	v51 =	vadd.s32 v8, v47;
	v46 =	vmov s10;
	s10 =	sadd.s32 $0x6, s1;
	v49 =	vld [tilespmem:s31+$0xFFFFFF70];
	[tilespmem:v58+s20+$0x0] =	vst.idx.msk $0xffff, v57  }
0x5e: {  	v53 =	vadd.s32 v12, v53;
	v47 =	vshll.u32 v50, v1;
	v39 =	vmov s10;
	s10 =	sadd.s32 $0x7, s1;
	s1 =	sadd.s32 $0x8, s1;
	v50 =	vld [tilespmem:s31+$0xFFFFFFB0];
	[tilespmem:v60+s20+$0x0] =	vst.idx.msk $0xffff, v59  }
0x5f: {  	_ =	sdelay $0x2  }
0x60: {  	v52 =	vshrl.u32 v52, $0x3  }
0x61: {  	v55 =	vmov s10;
	v56 =	vld [tilespmem:s31+$0xFFFFFFF0];
	v35 =	vadd.s32 v16, v35;
	[tilespmem:v41+s20+$0x0] =	vst.idx.msk $0xffff, v40;
	v57 =	vshrl.u32 v54, $0x3  }
0x62: {  	v59 =	vld [tilespmem:s31+$0x30];
	v34 =	vadd.s32 v20, v34;
	v60 =	vshrl.u32 v44, $0x3;
	v58 =	vshrl.u32 v55, $0x3;
	[tilespmem:v43+s20+$0x0] =	vst.idx.msk $0xffff, v42  }
0x63: {  	v37 =	vadd.s32 v24, v37;
	v62 =	vshrl.u32 v46, $0x3;
	v61 =	vld [tilespmem:s31+$0x70];
	v41 =	vshll.u32 v58, v1;
	[tilespmem:v48+s20+$0x0] =	vst.idx.msk $0xffff, v45  }
0x64: {  	v36 =	vadd.s32 v28, v36;
	v46 =	vbroadcast v47, $0x0;
	v63 =	vld [tilespmem:s31+$0xB0];
	v41 =	vbroadcast v41, $0x0;
	[tilespmem:v51+s20+$0x0] =	vst.idx.msk $0xffff, v49  }
0x65: {  	v33 =	vadd.s32 v4, v33;
	s1 =	sadd.s32 $0x200, s31;
	v38 =	vshrl.u32 v38, $0x3;
	v55 =	vshll.u32 v52, v1;
	v48 =	vld [tilespmem:s31+$0xFFFFFF30];
	[tilespmem:v53+s20+$0x0] =	vst.idx.msk $0xffff, v50  }
0x66: {  	v40 =	vshll.u32 v57, v1;
	v47 =	vbroadcast v55, $0x0;
	v49 =	vld [tilespmem:s1+$0xC0];
	v50 =	vadd.s32 v29, v41;
	[tilespmem:v35+s20+$0x0] =	vst.idx.msk $0xffff, v56  }
0x67: {  	v42 =	vshll.u32 v60, v1;
	v40 =	vbroadcast v40, $0x0;
	v35 =	vld [tilespmem:s1+$0xFFFFFF00];
	v56 =	vadd.s32 v0, v46;
	[tilespmem:v34+s20+$0x0] =	vst.idx.msk $0xffff, v59  }
0x68: {  	v57 =	vld [tilespmem:s1+$0xFFFFFF40];
	v44 =	vshll.u32 v62, v1;
	v42 =	vbroadcast v42, $0x0;
	v58 =	vadd.s32 v5, v47;
	[tilespmem:v37+s20+$0x0] =	vst.idx.msk $0xffff, v61  }
0x69: {  	v38 =	vshll.u32 v38, v1;
	v44 =	vbroadcast v44, $0x0;
	v60 =	vadd.s32 v9, v40;
	v59 =	vld [tilespmem:s1+$0xFFFFFF80];
	[tilespmem:v36+s20+$0x0] =	vst.idx.msk $0xffff, v63  }
0x6a: {  	v38 =	vbroadcast v38, $0x0;
	v62 =	vadd.s32 v13, v42;
	v61 =	vld [tilespmem:s1+$0xFFFFFFC0];
	[tilespmem:v33+s20+$0x0] =	vst.idx.msk $0xffff, v48  }
0x6b: {  	v39 =	vshrl.u32 v39, $0x3;
	v63 =	vadd.s32 v17, v44;
	v33 =	vld [tilespmem:s1+$0x0];
	[tilespmem:v50+s20+$0x0] =	vst.idx.msk $0xffff, v49  }
0x6c: {  	v39 =	vshll.u32 v39, v1;
	v34 =	vld [tilespmem:s1+$0x40];
	[tilespmem:v56+s20+$0x0] =	vst.idx.msk $0xffff, v35;
	v56 =	vadd.s32 v21, v38  }
0x6d: {  	[tilespmem:v58+s20+$0x0] =	vst.idx.msk $0xffff, v57;
	v35 =	vbroadcast v39, $0x0;
	v49 =	vadd.s32 v30, v41;
	v39 =	vld [tilespmem:s1+$0xD0]  }
0x6e: {  	[tilespmem:v60+s20+$0x0] =	vst.idx.msk $0xffff, v59;
	v59 =	vld [tilespmem:s1+$0xFFFFFF50];
	v60 =	vadd.s32 v6, v47  }
0x6f: {  	v57 =	vld [tilespmem:s1+$0x80];
	[tilespmem:v62+s20+$0x0] =	vst.idx.msk $0xffff, v61;
	v58 =	vadd.s32 v25, v35  }
0x70: {  	v61 =	vld [tilespmem:s1+$0xFFFFFF90];
	v62 =	vadd.s32 v10, v40;
	[tilespmem:v63+s20+$0x0] =	vst.idx.msk $0xffff, v33  }
0x71: {  	v33 =	vld [tilespmem:s1+$0xFFFFFFD0];
	v63 =	vadd.s32 v14, v42;
	[tilespmem:v56+s20+$0x0] =	vst.idx.msk $0xffff, v34  }
0x72: {  	v56 =	vadd.s32 v18, v44;
	[tilespmem:v49+s20+$0x0] =	vst.idx.msk $0xffff, v39;
	v49 =	vld [tilespmem:s1+$0x10]  }
0x73: {  	[tilespmem:v60+s20+$0x0] =	vst.idx.msk $0xffff, v59;
	v39 =	vadd.s32 v31, v41;
	v34 =	vld [tilespmem:s1+$0xE0]  }
0x74: {  	[tilespmem:v58+s20+$0x0] =	vst.idx.msk $0xffff, v57;
	v57 =	vld [tilespmem:s1+$0x50];
	v58 =	vadd.s32 v22, v38  }
0x75: {  	[tilespmem:v62+s20+$0x0] =	vst.idx.msk $0xffff, v61;
	v61 =	vld [tilespmem:s1+$0xFFFFFF10];
	v62 =	vadd.s32 v2, v46  }
0x76: {  	v60 =	vadd.s32 v26, v35;
	v59 =	vld [tilespmem:s1+$0x90];
	[tilespmem:v63+s20+$0x0] =	vst.idx.msk $0xffff, v33  }
0x77: {  	v55 =	vadd.s32 v11, v40;
	v54 =	vadd.s32 v32, v41;
	v41 =	vld [tilespmem:s1+$0xFFFFFFA0];
	[tilespmem:v56+s20+$0x0] =	vst.idx.msk $0xffff, v49  }
0x78: {  	v53 =	vadd.s32 v7, v47;
	v63 =	vld [tilespmem:s1+$0xFFFFFF60];
	[tilespmem:v39+s20+$0x0] =	vst.idx.msk $0xffff, v34  }
0x79: {  	v56 =	vld [tilespmem:s1+$0xFFFFFFE0];
	[tilespmem:v58+s20+$0x0] =	vst.idx.msk $0xffff, v57;
	v57 =	vadd.s32 v15, v42  }
0x7a: {  	[tilespmem:v62+s20+$0x0] =	vst.idx.msk $0xffff, v61;
	v34 =	vld [tilespmem:s1+$0xF0]  }
0x7b: {  	v58 =	vld [tilespmem:s1+$0x20];
	[tilespmem:v60+s20+$0x0] =	vst.idx.msk $0xffff, v59;
	v59 =	vadd.s32 v19, v44  }
0x7c: {  	v61 =	vadd.s32 v23, v38;
	[tilespmem:v55+s20+$0x0] =	vst.idx.msk $0xffff, v41;
	v60 =	vld [tilespmem:s1+$0x60]  }
0x7d: {  	[tilespmem:v53+s20+$0x0] =	vst.idx.msk $0xffff, v63;
	v63 =	vadd.s32 v27, v35;
	v62 =	vld [tilespmem:s1+$0xA0]  }
0x7e: {  	v47 =	vadd.s32 v8, v47;
	v55 =	vld [tilespmem:s1+$0xFFFFFF70];
	[tilespmem:v57+s20+$0x0] =	vst.idx.msk $0xffff, v56  }
0x7f: {  	v53 =	vld [tilespmem:s1+$0xFFFFFF20];
	[tilespmem:v54+s20+$0x0] =	vst.idx.msk $0xffff, v34;
	v54 =	vadd.s32 v3, v46  }
0x80: {  	v40 =	vadd.s32 v12, v40;
	v56 =	vld [tilespmem:s1+$0xFFFFFFB0];
	[tilespmem:v59+s20+$0x0] =	vst.idx.msk $0xffff, v58  }
0x81: {  	v42 =	vadd.s32 v16, v42;
	v57 =	vld [tilespmem:s1+$0xFFFFFFF0];
	[tilespmem:v61+s20+$0x0] =	vst.idx.msk $0xffff, v60  }
0x82: {  	v59 =	vadd.s32 v20, v44;
	v58 =	vld [tilespmem:s1+$0x30];
	[tilespmem:v63+s20+$0x0] =	vst.idx.msk $0xffff, v62  }
0x83: {  	v38 =	vadd.s32 v24, v38;
	v60 =	vld [tilespmem:s1+$0x70];
	[tilespmem:v47+s20+$0x0] =	vst.idx.msk $0xffff, v55  }
0x84: {  	v35 =	vadd.s32 v28, v35;
	v61 =	vld [tilespmem:s1+$0xB0];
	[tilespmem:v54+s20+$0x0] =	vst.idx.msk $0xffff, v53  }
0x85: {  	v63 =	vadd.s32 v4, v46;
	[tilespmem:v40+s20+$0x0] =	vst.idx.msk $0xffff, v56;
	v62 =	vld [tilespmem:s1+$0xFFFFFF30]  }
0x86: {  	[tilespmem:v42+s20+$0x0] =	vst.idx.msk $0xffff, v57  }
0x87: {  	s10 =	sshll.u32 s29, $0x14;
	[tilespmem:v59+s20+$0x0] =	vst.idx.msk $0xffff, v58  }
0x88: {  	[tilespmem:v38+s20+$0x0] =	vst.idx.msk $0xffff, v60;
	s1 =	sor.u32 s4, s10  }
0x89: {  	[tilespmem:v35+s20+$0x0] =	vst.idx.msk $0xffff, v61;
	s31 =	sshrl.u32 s1, $0x3  }
0x8a: {  	s11 =	simm.s32 $0xE400;
	s10 =	sadd.s32 s2, s31;
	[tilespmem:v63+s20+$0x0] =	vst.idx.msk $0xffff, v62  }
0x8b: {  	[hbm4b:s10+s3] =	stream.linear.scatter [tilespmem:s11], [sflag:$0x5], $0x80, $0x38;
	[tilespmem:$0x12800] =	vst v63  }
0x8c: {  	s15 =	simm.s32 $0xE488;
	s11 =	sadd.s32 $0x10, s10  }
0x8d: {  	[hbm4b:s11+s3] =	stream.linear.scatter [tilespmem:s15], [sflag:$0x5], $0x80, $0x38;
	[tilespmem:$0x12800] =	vst v63  }
0x8e: {  	s16 =	simm.s32 $0xE510;
	s17 =	sadd.s32 $0x20, s10  }
0x8f: {  	[hbm4b:s17+s3] =	stream.linear.scatter [tilespmem:s16], [sflag:$0x5], $0x80, $0x38;
	[tilespmem:$0x12800] =	vst v63  }
0x90: {  	s11 =	simm.s32 $0xE598;
	s15 =	sadd.s32 $0x30, s10  }
0x91: {  	[hbm4b:s15+s3] =	stream.linear.scatter [tilespmem:s11], [sflag:$0x5], $0x80, $0x38;
	[tilespmem:$0x12800] =	vst v63  }
0x92: {  	s16 =	simm.s32 $0xE620;
	s17 =	sadd.s32 $0x40, s10  }
0x93: {  	[hbm4b:s17+s3] =	stream.linear.scatter [tilespmem:s16], [sflag:$0x5], $0x80, $0x38;
	[tilespmem:$0x12800] =	vst v63  }
0x94: {  	s1 =	simm.s32 $0x440;
	s11 =	simm.s32 $0xE6A8;
	s15 =	sadd.s32 $0x50, s10  }
0x95: {  	[hbm4b:s15+s3] =	stream.linear.scatter [tilespmem:s11], [sflag:$0x5], $0x80, $0x38;
	[tilespmem:$0x12800] =	vst v63  }
0x96: {  	s16 =	simm.s32 $0xE730;
	s17 =	sadd.s32 $0x60, s10;
	s11 =	simm.s32 $0x2200  }
0x97: {  	[hbm4b:s17+s3] =	stream.linear.scatter [tilespmem:s16], [sflag:$0x5], $0x80, $0x38;
	[tilespmem:$0x12800] =	vst v63  }
0x98: {  	s15 =	simm.s32 $0xE7B8;
	s16 =	sadd.s32 $0x70, s10;
	s10 =	sadd.s32 $0x1000, s10  }
.LBB2_5:
0x99: {  	[hbm4b:s16+s3] =	stream.linear.scatter [tilespmem:s15], [sflag:$0x5], $0x80, $0x38;
	[tilespmem:$0x12800] =	vst v63  }
0x9a: {  	s15 =	smov.u32 s1;
	s1 =	smov.u32 s11  }
0x9b: {  	s17 =	sadd.s32 $0x1100, s11;
	s1 =	sshra.s32 s1, $0x2;
	s16 =	sadd.s32 $0xE400, s15  }
0x9c: {  	[hbm4b:s10+s3] =	stream.linear.scatter [tilespmem:s16], [sflag:$0x5], $0x80, $0x38;
	[tilespmem:$0x12800] =	vst v63  }
0x9d: {  	p1 =	sne.s32 s11, $0x7700;
	s11 =	sadd.s32 $0xE488, s15;
	s16 =	sadd.s32 $0x10, s10  }
0x9e: {  	[hbm4b:s16+s3] =	stream.linear.scatter [tilespmem:s11], [sflag:$0x5], $0x80, $0x38;
	[tilespmem:$0x12800] =	vst v63  }
0x9f: {  	s11 =	sadd.s32 $0xE510, s15;
	s16 =	sadd.s32 $0x20, s10  }
0xa0: {  	[hbm4b:s16+s3] =	stream.linear.scatter [tilespmem:s11], [sflag:$0x5], $0x80, $0x38;
	[tilespmem:$0x12800] =	vst v63  }
0xa1: {  	s11 =	sadd.s32 $0xE598, s15;
	s16 =	sadd.s32 $0x30, s10  }
0xa2: {  	[hbm4b:s16+s3] =	stream.linear.scatter [tilespmem:s11], [sflag:$0x5], $0x80, $0x38;
	[tilespmem:$0x12800] =	vst v63  }
0xa3: {  	s11 =	sadd.s32 $0xE620, s15;
	s16 =	sadd.s32 $0x40, s10  }
0xa4: {  	[hbm4b:s16+s3] =	stream.linear.scatter [tilespmem:s11], [sflag:$0x5], $0x80, $0x38;
	[tilespmem:$0x12800] =	vst v63  }
.Ltmp1:
0xa5: {  	s11 =	sadd.s32 $0xE6A8, s15;
	s16 =	sadd.s32 $0x50, s10;
	(pc) =	sbr.rel @p1 .LBB2_5-.Ltmp1, $4  }
0xa6: {  	[hbm4b:s16+s3] =	stream.linear.scatter [tilespmem:s11], [sflag:$0x5], $0x80, $0x38;
	[tilespmem:$0x12800] =	vst v63  }
0xa7: {  	s11 =	sadd.s32 $0xE730, s15;
	s16 =	sadd.s32 $0x60, s10;
	s15 =	sadd.s32 $0xE7B8, s15  }
0xa8: {  	[hbm4b:s16+s3] =	stream.linear.scatter [tilespmem:s11], [sflag:$0x5], $0x80, $0x38;
	[tilespmem:$0x12800] =	vst v63  }
0xa9: {  	s16 =	sadd.s32 $0x70, s10;
	s10 =	sadd.s32 $0x1000, s10;
	s11 =	smov.u32 s17  }
0xaa: {  	[hbm4b:s16+s3] =	stream.linear.scatter [tilespmem:s15], [sflag:$0x5], $0x80, $0x38;
	[tilespmem:$0x12800] =	vst v63  }
0xab: {  	s11 =	sadd.s32 $0xE400, s1  }
0xac: {  	[hbm4b:s10+s3] =	stream.linear.scatter [tilespmem:s11], [sflag:$0x5], $0x80, $0x38;
	[tilespmem:$0x12800] =	vst v63  }
0xad: {  	s16 =	sadd.s32 $0xE488, s1;
	s17 =	sadd.s32 $0x10, s10  }
0xae: {  	[hbm4b:s17+s3] =	stream.linear.scatter [tilespmem:s16], [sflag:$0x5], $0x80, $0x38;
	[tilespmem:$0x12800] =	vst v63  }
0xaf: {  	s16 =	sadd.s32 $0xE510, s1;
	s17 =	sadd.s32 $0x20, s10  }
0xb0: {  	[hbm4b:s17+s3] =	stream.linear.scatter [tilespmem:s16], [sflag:$0x5], $0x80, $0x38;
	[tilespmem:$0x12800] =	vst v63  }
0xb1: {  	s16 =	sadd.s32 $0xE598, s1;
	s17 =	sadd.s32 $0x30, s10  }
0xb2: {  	[hbm4b:s17+s3] =	stream.linear.scatter [tilespmem:s16], [sflag:$0x5], $0x80, $0x38;
	[tilespmem:$0x12800] =	vst v63  }
0xb3: {  	s16 =	sadd.s32 $0xE620, s1;
	s17 =	sadd.s32 $0x40, s10  }
0xb4: {  	[hbm4b:s17+s3] =	stream.linear.scatter [tilespmem:s16], [sflag:$0x5], $0x80, $0x38;
	[tilespmem:$0x12800] =	vst v63  }
0xb5: {  	p1 =	sne.s32 s29, $0x31;
	s16 =	sadd.s32 $0xE6A8, s1;
	s17 =	sadd.s32 $0x50, s10  }
0xb6: {  	[hbm4b:s17+s3] =	stream.linear.scatter [tilespmem:s16], [sflag:$0x5], $0x80, $0x38;
	[tilespmem:$0x12800] =	vst v63  }
.Ltmp2:
0xb7: {  	_ = 	snop;
	(pc) =	sbr.rel @p1 .LBB2_8-.Ltmp2, $4  }
0xb8: {  	s16 =	sadd.s32 $0xE730, s1;
	s17 =	sadd.s32 $0x60, s10  }
0xb9: {  	[hbm4b:s17+s3] =	stream.linear.scatter [tilespmem:s16], [sflag:$0x5], $0x80, $0x38;
	[tilespmem:$0x12800] =	vst v63  }
0xba: {  	s16 =	sadd.s32 $0xE7B8, s1;
	s17 =	sadd.s32 $0x70, s10  }
0xbb: {  	[hbm4b:s17+s3] =	stream.linear.scatter [tilespmem:s16], [sflag:$0x5], $0x80, $0x38;
	[tilespmem:$0x12800] =	vst v63  }
.Ltmp3:
0xbc: {  	(pc) =	sbr.rel .LBB2_9-.Ltmp3, $4  }
0xbd: {  	_ = 	snop  }
0xbe: {  	_ =	swait.ge [sflag:s21], $0x2000  }
0xbf: {  	[sflag:s21] =	ssyncset.done $0x0  }
0xc0: {  	[sflag:s21] =	ssyncadd.s32 $0xFFFFE000  }
.LBB2_8:
0xc1: {  	s1 =	sshll.u32 s0, $0x7  }
0xc2: {  	s1 =	sadd.s32 $0x200, s1  }
.Ltmp4:
0xc3: {  	s1 =	sand.u32 $0xFE00, s1;
	(pc) =	sbr.rel @p0 .LBB2_10-.Ltmp4, $4  }
0xc4: {  	[tilespmem:s14], [sflag:$0x1] =	stream.indirect.gather [hbm4b:s5+s13], $0x40, s1, s13, $0xb8;
	[tilespmem:$0x12800] =	vst v63  }
0xc5: {  	_ =	swait.ge [sflag:s21], $0x2000  }
0xc6: {  	[sflag:s21] =	ssyncset.done $0x0  }
0xc7: {  	[sflag:s21] =	ssyncadd.s32 $0xFFFFE000  }
.LBB2_9:
0xc8: {  	_ =	swait.ge [sflag:s22], $0x2000  }
0xc9: {  	[sflag:s22] =	ssyncset.done $0x0  }
0xca: {  	[sflag:s22] =	ssyncadd.s32 $0xFFFFE000  }
.LBB2_10:
0xcb: {  	s1 =	simm.s32 $0x0;
	s11 =	simm.s32 $0x1;
	s10 =	simm.s32 $0x2  }
0xcc: {  	s15 =	simm.s32 $0x3;
	s16 =	simm.s32 $0x4;
	s17 =	simm.s32 $0x5;
	v33 =	vmov s1;
	v34 =	vmov s11;
	v35 =	vmov s10  }
0xcd: {  	s11 =	simm.s32 $0x7;
	v36 =	vmov s15;
	v37 =	vmov s16;
	v39 =	vmov s17;
	s10 =	simm.s32 $0x6  }
0xce: {  	v33 =	vshrl.u32 v33, $0x3;
	v38 =	vmov s11;
	v40 =	vmov s10  }
0xcf: {  	v34 =	vshrl.u32 v34, $0x3;
	v35 =	vshrl.u32 v35, $0x3;
	v36 =	vshrl.u32 v36, $0x3  }
0xd0: {  	v37 =	vshrl.u32 v37, $0x3;
	v55 =	vshrl.u32 v39, $0x3;
	v33 =	vshll.u32 v33, v1  }
0xd1: {  	v38 =	vshrl.u32 v38, $0x3;
	v34 =	vshll.u32 v34, v1;
	v33 =	vbroadcast v33, $0x0  }
0xd2: {  	s1 =	simm.s32 $0x8500;
	v52 =	vshll.u32 v35, v1;
	v38 =	vshll.u32 v38, v1;
	v45 =	vbroadcast v34, $0x0  }
0xd3: {  	v43 =	vld [tilespmem:s1+$0xFFFFFF00];
	v53 =	vshll.u32 v36, v1;
	v38 =	vbroadcast v38, $0x0;
	v44 =	vadd.s32 v0, v33  }
0xd4: {  	v46 =	vld [tilespmem:s1+$0xFFFFFF40];
	v54 =	vshll.u32 v37, v1;
	v52 =	vbroadcast v52, $0x0;
	v47 =	vadd.s32 v5, v45  }
0xd5: {  	v41 =	vld [tilespmem:s1+$0xC0];
	v36 =	vshll.u32 v55, v1;
	v35 =	vbroadcast v53, $0x0;
	v42 =	vadd.s32 v29, v38  }
0xd6: {  	v48 =	vld [tilespmem:s1+$0xFFFFFF80];
	v40 =	vshrl.u32 v40, $0x3;
	v34 =	vbroadcast v54, $0x0;
	v49 =	vadd.s32 v9, v52  }
0xd7: {  	v39 =	vld [tilespmem:s1+$0xFFFFFFC0];
	v37 =	vbroadcast v36, $0x0;
	v56 =	vshll.u32 v40, v1;
	v50 =	vadd.s32 v13, v35  }
0xd8: {  	v51 =	vld [tilespmem:s1+$0x0];
	v36 =	vbroadcast v56, $0x0;
	v53 =	vadd.s32 v17, v34;
	[tilespmem:v44+s23+$0x0] =	vst.idx.msk $0xffff, v43  }
0xd9: {  	v59 =	vld [tilespmem:s1+$0x40];
	v60 =	vadd.s32 v21, v37;
	[tilespmem:v47+s23+$0x0] =	vst.idx.msk $0xffff, v46  }
0xda: {  	v61 =	vld [tilespmem:s1+$0x80];
	v62 =	vadd.s32 v25, v36;
	[tilespmem:v42+s23+$0x0] =	vst.idx.msk $0xffff, v41  }
0xdb: {  	v58 =	vadd.s32 v30, v38;
	[tilespmem:v49+s23+$0x0] =	vst.idx.msk $0xffff, v48;
	v57 =	vld [tilespmem:s1+$0xD0]  }
0xdc: {  	v63 =	vadd.s32 v6, v45;
	[tilespmem:v50+s23+$0x0] =	vst.idx.msk $0xffff, v39;
	v47 =	vld [tilespmem:s1+$0xFFFFFF50]  }
0xdd: {  	v55 =	vadd.s32 v10, v52;
	[tilespmem:v53+s23+$0x0] =	vst.idx.msk $0xffff, v51;
	v54 =	vld [tilespmem:s1+$0xFFFFFF90]  }
0xde: {  	v56 =	vadd.s32 v14, v35;
	[tilespmem:v60+s23+$0x0] =	vst.idx.msk $0xffff, v59;
	v50 =	vld [tilespmem:s1+$0xFFFFFFD0]  }
0xdf: {  	v46 =	vadd.s32 v22, v37;
	[tilespmem:v62+s23+$0x0] =	vst.idx.msk $0xffff, v61;
	v44 =	vld [tilespmem:s1+$0x50]  }
0xe0: {  	v59 =	vadd.s32 v18, v34;
	[tilespmem:v58+s23+$0x0] =	vst.idx.msk $0xffff, v57;
	v58 =	vld [tilespmem:s1+$0x10]  }
0xe1: {  	[tilespmem:v63+s23+$0x0] =	vst.idx.msk $0xffff, v47;
	v57 =	vadd.s32 v31, v38;
	v40 =	vld [tilespmem:s1+$0xE0]  }
0xe2: {  	v61 =	vld [tilespmem:s1+$0xFFFFFF10];
	v62 =	vadd.s32 v2, v33;
	[tilespmem:v55+s23+$0x0] =	vst.idx.msk $0xffff, v54  }
0xe3: {  	v60 =	vadd.s32 v26, v36;
	v63 =	vld [tilespmem:s1+$0x90];
	[tilespmem:v56+s23+$0x0] =	vst.idx.msk $0xffff, v50  }
0xe4: {  	v51 =	vadd.s32 v7, v45;
	[tilespmem:v46+s23+$0x0] =	vst.idx.msk $0xffff, v44;
	v50 =	vld [tilespmem:s1+$0xFFFFFF60]  }
0xe5: {  	v56 =	vadd.s32 v11, v52;
	v55 =	vld [tilespmem:s1+$0xFFFFFFA0];
	[tilespmem:v59+s23+$0x0] =	vst.idx.msk $0xffff, v58  }
0xe6: {  	v58 =	vadd.s32 v15, v35;
	[tilespmem:v57+s23+$0x0] =	vst.idx.msk $0xffff, v40;
	v57 =	vld [tilespmem:s1+$0xFFFFFFE0]  }
0xe7: {  	[tilespmem:v62+s23+$0x0] =	vst.idx.msk $0xffff, v61;
	v38 =	vadd.s32 v32, v38;
	v54 =	vld [tilespmem:s1+$0xF0]  }
0xe8: {  	s15 =	simm.s32 $0x9;
	[tilespmem:v60+s23+$0x0] =	vst.idx.msk $0xffff, v63;
	v60 =	vadd.s32 v19, v34;
	v59 =	vld [tilespmem:s1+$0x20]  }
0xe9: {  	s17 =	simm.s32 $0xB;
	v53 =	vmov s15;
	v41 =	vadd.s32 v23, v37;
	[tilespmem:v51+s23+$0x0] =	vst.idx.msk $0xffff, v50;
	v40 =	vld [tilespmem:s1+$0x60]  }
0xea: {  	s11 =	simm.s32 $0x8;
	v43 =	vadd.s32 v27, v36;
	s15 =	simm.s32 $0xC;
	v48 =	vadd.s32 v3, v33;
	v44 =	vmov s17;
	v42 =	vld [tilespmem:s1+$0xA0];
	[tilespmem:v56+s23+$0x0] =	vst.idx.msk $0xffff, v55  }
0xeb: {  	s16 =	simm.s32 $0xA;
	v47 =	vmov s15;
	v52 =	vadd.s32 v12, v52;
	v46 =	vld [tilespmem:s1+$0xFFFFFF20];
	v63 =	vmov s11;
	[tilespmem:v58+s23+$0x0] =	vst.idx.msk $0xffff, v57  }
0xec: {  	s17 =	simm.s32 $0xE;
	v39 =	vshrl.u32 v63, $0x3;
	v51 =	vadd.s32 v8, v45;
	v49 =	vld [tilespmem:s1+$0xFFFFFF70];
	[tilespmem:v38+s23+$0x0] =	vst.idx.msk $0xffff, v54;
	v54 =	vmov s16;
	s16 =	simm.s32 $0xD  }
0xed: {  	s10 =	simm.s32 $0x10;
	s11 =	simm.s32 $0xF;
	v45 =	vshll.u32 v39, v1;
	v39 =	vmov s17;
	v50 =	vld [tilespmem:s1+$0xFFFFFFB0];
	[tilespmem:v60+s23+$0x0] =	vst.idx.msk $0xffff, v59;
	v38 =	vmov s16  }
.LBB2_11:
0xee: {  	p0 =	slt.u32 s10, $0x78;
	v53 =	vshrl.u32 v53, $0x3;
	v55 =	vmov s11;
	v56 =	vld [tilespmem:s1+$0xFFFFFFF0];
	v35 =	vadd.s32 v16, v35;
	[tilespmem:v41+s23+$0x0] =	vst.idx.msk $0xffff, v40  }
0xef: {  	v40 =	vshrl.u32 v54, $0x3;
	v34 =	vadd.s32 v20, v34;
	v41 =	vshrl.u32 v55, $0x3;
	v54 =	vld [tilespmem:s1+$0x30];
	[tilespmem:v43+s23+$0x0] =	vst.idx.msk $0xffff, v42  }
0xf0: {  	v37 =	vadd.s32 v24, v37;
	v42 =	vshrl.u32 v44, $0x3;
	v41 =	vshll.u32 v41, v1;
	[tilespmem:v48+s23+$0x0] =	vst.idx.msk $0xffff, v46;
	v43 =	vld [tilespmem:s1+$0x70]  }
0xf1: {  	v36 =	vadd.s32 v28, v36;
	v44 =	vshrl.u32 v47, $0x3;
	v41 =	vbroadcast v41, $0x0;
	[tilespmem:v51+s23+$0x0] =	vst.idx.msk $0xffff, v49;
	v46 =	vld [tilespmem:s1+$0xB0]  }
0xf2: {  	v47 =	vshll.u32 v53, v1;
	v49 =	vadd.s32 v4, v33;
	v33 =	vbroadcast v45, $0x0;
	v48 =	vld [tilespmem:s1+$0xFFFFFF30];
	[tilespmem:v52+s23+$0x0] =	vst.idx.msk $0xffff, v50;
	s1 =	sadd.s32 $0x200, s1  }
0xf3: {  	v40 =	vshll.u32 v40, v1;
	v45 =	vbroadcast v47, $0x0;
	v47 =	vld [tilespmem:s1+$0xC0];
	v50 =	vadd.s32 v29, v41;
	[tilespmem:v35+s23+$0x0] =	vst.idx.msk $0xffff, v56  }
0xf4: {  	v55 =	vbroadcast v40, $0x0;
	v52 =	vadd.s32 v0, v33;
	v35 =	vshll.u32 v42, v1;
	v51 =	vld [tilespmem:s1+$0xFFFFFF00];
	[tilespmem:v34+s23+$0x0] =	vst.idx.msk $0xffff, v54  }
0xf5: {  	v42 =	vadd.s32 v5, v45;
	v35 =	vbroadcast v35, $0x0;
	v34 =	vshll.u32 v44, v1;
	v40 =	vld [tilespmem:s1+$0xFFFFFF40];
	[tilespmem:v37+s23+$0x0] =	vst.idx.msk $0xffff, v43  }
0xf6: {  	v44 =	vadd.s32 v9, v55;
	v34 =	vbroadcast v34, $0x0;
	v37 =	vshrl.u32 v38, $0x3;
	v43 =	vld [tilespmem:s1+$0xFFFFFF80];
	[tilespmem:v36+s23+$0x0] =	vst.idx.msk $0xffff, v46  }
0xf7: {  	v39 =	vshrl.u32 v39, $0x3;
	v46 =	vadd.s32 v13, v35;
	v36 =	vshll.u32 v37, v1;
	v38 =	vld [tilespmem:s1+$0xFFFFFFC0];
	[tilespmem:v49+s23+$0x0] =	vst.idx.msk $0xffff, v48  }
0xf8: {  	v49 =	vadd.s32 v17, v34;
	v37 =	vbroadcast v36, $0x0;
	v36 =	vshll.u32 v39, v1;
	v48 =	vld [tilespmem:s1+$0x0];
	[tilespmem:v50+s23+$0x0] =	vst.idx.msk $0xffff, v47  }
0xf9: {  	v36 =	vbroadcast v36, $0x0;
	v47 =	vadd.s32 v30, v41;
	[tilespmem:v52+s23+$0x0] =	vst.idx.msk $0xffff, v51;
	v39 =	vld [tilespmem:s1+$0xD0]  }
0xfa: {  	[tilespmem:v42+s23+$0x0] =	vst.idx.msk $0xffff, v40;
	v40 =	vld [tilespmem:s1+$0x40];
	v42 =	vadd.s32 v21, v37  }
0xfb: {  	[tilespmem:v44+s23+$0x0] =	vst.idx.msk $0xffff, v43;
	v43 =	vld [tilespmem:s1+$0x80];
	v44 =	vadd.s32 v25, v36  }
0xfc: {  	v51 =	vadd.s32 v6, v45;
	v50 =	vld [tilespmem:s1+$0xFFFFFF50];
	[tilespmem:v46+s23+$0x0] =	vst.idx.msk $0xffff, v38  }
0xfd: {  	v46 =	vadd.s32 v10, v55;
	v38 =	vld [tilespmem:s1+$0xFFFFFF90];
	[tilespmem:v49+s23+$0x0] =	vst.idx.msk $0xffff, v48  }
0xfe: {  	v49 =	vadd.s32 v14, v35;
	v48 =	vld [tilespmem:s1+$0xFFFFFFD0];
	[tilespmem:v47+s23+$0x0] =	vst.idx.msk $0xffff, v39  }
0xff: {  	[tilespmem:v42+s23+$0x0] =	vst.idx.msk $0xffff, v40;
	v39 =	vld [tilespmem:s1+$0xE0];
	v40 =	vadd.s32 v31, v41  }
0x100: {  	v47 =	vadd.s32 v18, v34;
	v42 =	vld [tilespmem:s1+$0x10];
	[tilespmem:v44+s23+$0x0] =	vst.idx.msk $0xffff, v43  }
0x101: {  	v44 =	vadd.s32 v22, v37;
	[tilespmem:v51+s23+$0x0] =	vst.idx.msk $0xffff, v50;
	v43 =	vld [tilespmem:s1+$0x50]  }
0x102: {  	[tilespmem:v46+s23+$0x0] =	vst.idx.msk $0xffff, v38;
	v38 =	vld [tilespmem:s1+$0x90];
	v46 =	vadd.s32 v26, v36  }
0x103: {  	v51 =	vadd.s32 v2, v33;
	v50 =	vld [tilespmem:s1+$0xFFFFFF10];
	[tilespmem:v49+s23+$0x0] =	vst.idx.msk $0xffff, v48  }
0x104: {  	v49 =	vadd.s32 v7, v45;
	v48 =	vld [tilespmem:s1+$0xFFFFFF60];
	[tilespmem:v40+s23+$0x0] =	vst.idx.msk $0xffff, v39  }
0x105: {  	[tilespmem:v47+s23+$0x0] =	vst.idx.msk $0xffff, v42;
	v39 =	vld [tilespmem:s1+$0xF0];
	v47 =	vadd.s32 v32, v41  }
0x106: {  	v56 =	vadd.s32 v11, v55;
	v52 =	vld [tilespmem:s1+$0xFFFFFFA0];
	[tilespmem:v44+s23+$0x0] =	vst.idx.msk $0xffff, v43  }
0x107: {  	v58 =	vadd.s32 v15, v35;
	v57 =	vld [tilespmem:s1+$0xFFFFFFE0];
	[tilespmem:v46+s23+$0x0] =	vst.idx.msk $0xffff, v38  }
0x108: {  	v60 =	vadd.s32 v19, v34;
	[tilespmem:v51+s23+$0x0] =	vst.idx.msk $0xffff, v50;
	v59 =	vld [tilespmem:s1+$0x20]  }
.Ltmp5:
0x109: {  	s11 =	sadd.s32 $0x1, s10;
	v41 =	vadd.s32 v23, v37;
	v38 =	vmov s10;
	[tilespmem:v49+s23+$0x0] =	vst.idx.msk $0xffff, v48;
	v40 =	vld [tilespmem:s1+$0x60];
	(pc) =	sbr.rel @p0 .LBB2_11-.Ltmp5, $4  }
0x10a: {  	s15 =	sadd.s32 $0x3, s10;
	v53 =	vmov s11;
	s11 =	sadd.s32 $0x2, s10;
	v43 =	vadd.s32 v27, v36;
	v50 =	vshrl.u32 v38, $0x3;
	v42 =	vld [tilespmem:s1+$0xA0];
	[tilespmem:v47+s23+$0x0] =	vst.idx.msk $0xffff, v39  }
0x10b: {  	v54 =	vmov s11;
	s11 =	sadd.s32 $0x4, s10;
	v44 =	vmov s15;
	s15 =	sadd.s32 $0x5, s10;
	v48 =	vadd.s32 v3, v33;
	v46 =	vld [tilespmem:s1+$0xFFFFFF20];
	[tilespmem:v56+s23+$0x0] =	vst.idx.msk $0xffff, v52  }
0x10c: {  	v38 =	vmov s15;
	v51 =	vadd.s32 v8, v45;
	v47 =	vmov s11;
	s11 =	sadd.s32 $0x6, s10;
	v49 =	vld [tilespmem:s1+$0xFFFFFF70];
	[tilespmem:v58+s23+$0x0] =	vst.idx.msk $0xffff, v57  }
0x10d: {  	v45 =	vshll.u32 v50, v1;
	v39 =	vmov s11;
	s11 =	sadd.s32 $0x7, s10;
	s10 =	sadd.s32 $0x8, s10;
	v52 =	vadd.s32 v12, v55;
	v50 =	vld [tilespmem:s1+$0xFFFFFFB0];
	[tilespmem:v60+s23+$0x0] =	vst.idx.msk $0xffff, v59  }
0x10e: {  	_ =	sdelay $0x2  }
0x10f: {  	v53 =	vshrl.u32 v53, $0x3  }
0x110: {  	v55 =	vmov s11;
	v56 =	vld [tilespmem:s1+$0xFFFFFFF0];
	v35 =	vadd.s32 v16, v35;
	[tilespmem:v41+s23+$0x0] =	vst.idx.msk $0xffff, v40;
	v57 =	vshrl.u32 v54, $0x3  }
0x111: {  	v59 =	vld [tilespmem:s1+$0x30];
	v34 =	vadd.s32 v20, v34;
	v60 =	vshrl.u32 v44, $0x3;
	v58 =	vshrl.u32 v55, $0x3;
	[tilespmem:v43+s23+$0x0] =	vst.idx.msk $0xffff, v42  }
0x112: {  	v37 =	vadd.s32 v24, v37;
	v62 =	vshrl.u32 v47, $0x3;
	v61 =	vld [tilespmem:s1+$0x70];
	v41 =	vshll.u32 v58, v1;
	[tilespmem:v48+s23+$0x0] =	vst.idx.msk $0xffff, v46  }
0x113: {  	v36 =	vadd.s32 v28, v36;
	v45 =	vbroadcast v45, $0x0;
	v63 =	vld [tilespmem:s1+$0xB0];
	v41 =	vbroadcast v41, $0x0;
	[tilespmem:v51+s23+$0x0] =	vst.idx.msk $0xffff, v49  }
0x114: {  	v33 =	vadd.s32 v4, v33;
	s16 =	sadd.s32 $0x200, s1;
	v38 =	vshrl.u32 v38, $0x3;
	v55 =	vshll.u32 v53, v1;
	v48 =	vld [tilespmem:s1+$0xFFFFFF30];
	[tilespmem:v52+s23+$0x0] =	vst.idx.msk $0xffff, v50  }
0x115: {  	v40 =	vshll.u32 v57, v1;
	v47 =	vbroadcast v55, $0x0;
	v49 =	vld [tilespmem:s16+$0xC0];
	v50 =	vadd.s32 v29, v41;
	[tilespmem:v35+s23+$0x0] =	vst.idx.msk $0xffff, v56  }
0x116: {  	v42 =	vshll.u32 v60, v1;
	v40 =	vbroadcast v40, $0x0;
	v35 =	vld [tilespmem:s16+$0xFFFFFF00];
	v56 =	vadd.s32 v0, v45;
	[tilespmem:v34+s23+$0x0] =	vst.idx.msk $0xffff, v59  }
0x117: {  	v57 =	vld [tilespmem:s16+$0xFFFFFF40];
	v44 =	vshll.u32 v62, v1;
	v42 =	vbroadcast v42, $0x0;
	v58 =	vadd.s32 v5, v47;
	[tilespmem:v37+s23+$0x0] =	vst.idx.msk $0xffff, v61  }
0x118: {  	v38 =	vshll.u32 v38, v1;
	v44 =	vbroadcast v44, $0x0;
	v60 =	vadd.s32 v9, v40;
	v59 =	vld [tilespmem:s16+$0xFFFFFF80];
	[tilespmem:v36+s23+$0x0] =	vst.idx.msk $0xffff, v63  }
0x119: {  	v38 =	vbroadcast v38, $0x0;
	v62 =	vadd.s32 v13, v42;
	v61 =	vld [tilespmem:s16+$0xFFFFFFC0];
	[tilespmem:v33+s23+$0x0] =	vst.idx.msk $0xffff, v48  }
0x11a: {  	v39 =	vshrl.u32 v39, $0x3;
	v63 =	vadd.s32 v17, v44;
	v33 =	vld [tilespmem:s16+$0x0];
	[tilespmem:v50+s23+$0x0] =	vst.idx.msk $0xffff, v49  }
0x11b: {  	v39 =	vshll.u32 v39, v1;
	v34 =	vld [tilespmem:s16+$0x40];
	[tilespmem:v56+s23+$0x0] =	vst.idx.msk $0xffff, v35;
	v56 =	vadd.s32 v21, v38  }
0x11c: {  	[tilespmem:v58+s23+$0x0] =	vst.idx.msk $0xffff, v57;
	v35 =	vbroadcast v39, $0x0;
	v49 =	vadd.s32 v30, v41;
	v39 =	vld [tilespmem:s16+$0xD0]  }
0x11d: {  	[tilespmem:v60+s23+$0x0] =	vst.idx.msk $0xffff, v59;
	v59 =	vld [tilespmem:s16+$0xFFFFFF50];
	v60 =	vadd.s32 v6, v47  }
0x11e: {  	v57 =	vld [tilespmem:s16+$0x80];
	[tilespmem:v62+s23+$0x0] =	vst.idx.msk $0xffff, v61;
	v58 =	vadd.s32 v25, v35  }
0x11f: {  	v61 =	vld [tilespmem:s16+$0xFFFFFF90];
	v62 =	vadd.s32 v10, v40;
	[tilespmem:v63+s23+$0x0] =	vst.idx.msk $0xffff, v33  }
0x120: {  	v33 =	vld [tilespmem:s16+$0xFFFFFFD0];
	v63 =	vadd.s32 v14, v42;
	[tilespmem:v56+s23+$0x0] =	vst.idx.msk $0xffff, v34  }
0x121: {  	v56 =	vadd.s32 v18, v44;
	[tilespmem:v49+s23+$0x0] =	vst.idx.msk $0xffff, v39;
	v49 =	vld [tilespmem:s16+$0x10]  }
0x122: {  	[tilespmem:v60+s23+$0x0] =	vst.idx.msk $0xffff, v59;
	v39 =	vadd.s32 v31, v41;
	v34 =	vld [tilespmem:s16+$0xE0]  }
0x123: {  	[tilespmem:v58+s23+$0x0] =	vst.idx.msk $0xffff, v57;
	v57 =	vld [tilespmem:s16+$0x50];
	v58 =	vadd.s32 v22, v38  }
0x124: {  	[tilespmem:v62+s23+$0x0] =	vst.idx.msk $0xffff, v61;
	v61 =	vld [tilespmem:s16+$0xFFFFFF10];
	v62 =	vadd.s32 v2, v45  }
0x125: {  	v60 =	vadd.s32 v26, v35;
	v59 =	vld [tilespmem:s16+$0x90];
	[tilespmem:v63+s23+$0x0] =	vst.idx.msk $0xffff, v33  }
0x126: {  	v55 =	vadd.s32 v11, v40;
	v54 =	vadd.s32 v32, v41;
	v41 =	vld [tilespmem:s16+$0xFFFFFFA0];
	[tilespmem:v56+s23+$0x0] =	vst.idx.msk $0xffff, v49  }
0x127: {  	v53 =	vadd.s32 v7, v47;
	v63 =	vld [tilespmem:s16+$0xFFFFFF60];
	[tilespmem:v39+s23+$0x0] =	vst.idx.msk $0xffff, v34  }
0x128: {  	v56 =	vld [tilespmem:s16+$0xFFFFFFE0];
	[tilespmem:v58+s23+$0x0] =	vst.idx.msk $0xffff, v57;
	v57 =	vadd.s32 v15, v42  }
0x129: {  	[tilespmem:v62+s23+$0x0] =	vst.idx.msk $0xffff, v61;
	v34 =	vld [tilespmem:s16+$0xF0]  }
0x12a: {  	v58 =	vld [tilespmem:s16+$0x20];
	[tilespmem:v60+s23+$0x0] =	vst.idx.msk $0xffff, v59;
	v59 =	vadd.s32 v19, v44  }
0x12b: {  	v61 =	vadd.s32 v23, v38;
	[tilespmem:v55+s23+$0x0] =	vst.idx.msk $0xffff, v41;
	v60 =	vld [tilespmem:s16+$0x60]  }
0x12c: {  	[tilespmem:v53+s23+$0x0] =	vst.idx.msk $0xffff, v63;
	v63 =	vadd.s32 v27, v35;
	v62 =	vld [tilespmem:s16+$0xA0]  }
0x12d: {  	v47 =	vadd.s32 v8, v47;
	v55 =	vld [tilespmem:s16+$0xFFFFFF70];
	[tilespmem:v57+s23+$0x0] =	vst.idx.msk $0xffff, v56  }
0x12e: {  	v53 =	vld [tilespmem:s16+$0xFFFFFF20];
	[tilespmem:v54+s23+$0x0] =	vst.idx.msk $0xffff, v34;
	v54 =	vadd.s32 v3, v45  }
0x12f: {  	v40 =	vadd.s32 v12, v40;
	v56 =	vld [tilespmem:s16+$0xFFFFFFB0];
	[tilespmem:v59+s23+$0x0] =	vst.idx.msk $0xffff, v58  }
0x130: {  	v42 =	vadd.s32 v16, v42;
	v57 =	vld [tilespmem:s16+$0xFFFFFFF0];
	[tilespmem:v61+s23+$0x0] =	vst.idx.msk $0xffff, v60  }
0x131: {  	v59 =	vadd.s32 v20, v44;
	v58 =	vld [tilespmem:s16+$0x30];
	[tilespmem:v63+s23+$0x0] =	vst.idx.msk $0xffff, v62  }
0x132: {  	v38 =	vadd.s32 v24, v38;
	v60 =	vld [tilespmem:s16+$0x70];
	[tilespmem:v47+s23+$0x0] =	vst.idx.msk $0xffff, v55  }
0x133: {  	v35 =	vadd.s32 v28, v35;
	v61 =	vld [tilespmem:s16+$0xB0];
	[tilespmem:v54+s23+$0x0] =	vst.idx.msk $0xffff, v53  }
0x134: {  	v63 =	vadd.s32 v4, v45;
	[tilespmem:v40+s23+$0x0] =	vst.idx.msk $0xffff, v56;
	v62 =	vld [tilespmem:s16+$0xFFFFFF30]  }
0x135: {  	[tilespmem:v42+s23+$0x0] =	vst.idx.msk $0xffff, v57  }
0x136: {  	[tilespmem:v59+s23+$0x0] =	vst.idx.msk $0xffff, v58  }
0x137: {  	[tilespmem:v38+s23+$0x0] =	vst.idx.msk $0xffff, v60  }
0x138: {  	[tilespmem:v35+s23+$0x0] =	vst.idx.msk $0xffff, v61  }
0x139: {  	s10 =	sadd.s32 s31, s7;
	s17 =	simm.s32 $0x10600;
	[tilespmem:v63+s23+$0x0] =	vst.idx.msk $0xffff, v62  }
0x13a: {  	[hbm4b:s10+s3] =	stream.linear.scatter [tilespmem:s17], [sflag:$0x6], $0x80, $0x38;
	[tilespmem:$0x12800] =	vst v63  }
0x13b: {  	s11 =	simm.s32 $0x10688;
	s15 =	sadd.s32 $0x10, s10  }
0x13c: {  	[hbm4b:s15+s3] =	stream.linear.scatter [tilespmem:s11], [sflag:$0x6], $0x80, $0x38;
	[tilespmem:$0x12800] =	vst v63  }
0x13d: {  	s16 =	simm.s32 $0x10710;
	s17 =	sadd.s32 $0x20, s10  }
0x13e: {  	[hbm4b:s17+s3] =	stream.linear.scatter [tilespmem:s16], [sflag:$0x6], $0x80, $0x38;
	[tilespmem:$0x12800] =	vst v63  }
0x13f: {  	s11 =	simm.s32 $0x10798;
	s15 =	sadd.s32 $0x30, s10  }
0x140: {  	[hbm4b:s15+s3] =	stream.linear.scatter [tilespmem:s11], [sflag:$0x6], $0x80, $0x38;
	[tilespmem:$0x12800] =	vst v63  }
0x141: {  	s16 =	simm.s32 $0x10820;
	s17 =	sadd.s32 $0x40, s10  }
0x142: {  	[hbm4b:s17+s3] =	stream.linear.scatter [tilespmem:s16], [sflag:$0x6], $0x80, $0x38;
	[tilespmem:$0x12800] =	vst v63  }
0x143: {  	s1 =	simm.s32 $0x440;
	s11 =	simm.s32 $0x108A8;
	s15 =	sadd.s32 $0x50, s10  }
0x144: {  	[hbm4b:s15+s3] =	stream.linear.scatter [tilespmem:s11], [sflag:$0x6], $0x80, $0x38;
	[tilespmem:$0x12800] =	vst v63  }
0x145: {  	s16 =	simm.s32 $0x10930;
	s17 =	sadd.s32 $0x60, s10;
	s11 =	simm.s32 $0x2200  }
0x146: {  	[hbm4b:s17+s3] =	stream.linear.scatter [tilespmem:s16], [sflag:$0x6], $0x80, $0x38;
	[tilespmem:$0x12800] =	vst v63  }
0x147: {  	s15 =	simm.s32 $0x109B8;
	s16 =	sadd.s32 $0x70, s10;
	s10 =	sadd.s32 $0x1000, s10  }
.LBB2_13:
0x148: {  	[hbm4b:s16+s3] =	stream.linear.scatter [tilespmem:s15], [sflag:$0x6], $0x80, $0x38;
	[tilespmem:$0x12800] =	vst v63  }
0x149: {  	s15 =	smov.u32 s1;
	s1 =	smov.u32 s11  }
0x14a: {  	s17 =	sadd.s32 $0x1100, s11;
	s1 =	sshra.s32 s1, $0x2;
	s16 =	sadd.s32 $0x10600, s15  }
0x14b: {  	[hbm4b:s10+s3] =	stream.linear.scatter [tilespmem:s16], [sflag:$0x6], $0x80, $0x38;
	[tilespmem:$0x12800] =	vst v63  }
0x14c: {  	p0 =	sne.s32 s11, $0x7700;
	s11 =	sadd.s32 $0x10688, s15;
	s16 =	sadd.s32 $0x10, s10  }
0x14d: {  	[hbm4b:s16+s3] =	stream.linear.scatter [tilespmem:s11], [sflag:$0x6], $0x80, $0x38;
	[tilespmem:$0x12800] =	vst v63  }
0x14e: {  	s11 =	sadd.s32 $0x10710, s15;
	s16 =	sadd.s32 $0x20, s10  }
0x14f: {  	[hbm4b:s16+s3] =	stream.linear.scatter [tilespmem:s11], [sflag:$0x6], $0x80, $0x38;
	[tilespmem:$0x12800] =	vst v63  }
0x150: {  	s11 =	sadd.s32 $0x10798, s15;
	s16 =	sadd.s32 $0x30, s10  }
0x151: {  	[hbm4b:s16+s3] =	stream.linear.scatter [tilespmem:s11], [sflag:$0x6], $0x80, $0x38;
	[tilespmem:$0x12800] =	vst v63  }
0x152: {  	s11 =	sadd.s32 $0x10820, s15;
	s16 =	sadd.s32 $0x40, s10  }
0x153: {  	[hbm4b:s16+s3] =	stream.linear.scatter [tilespmem:s11], [sflag:$0x6], $0x80, $0x38;
	[tilespmem:$0x12800] =	vst v63  }
.Ltmp6:
0x154: {  	s11 =	sadd.s32 $0x108A8, s15;
	s16 =	sadd.s32 $0x50, s10;
	(pc) =	sbr.rel @p0 .LBB2_13-.Ltmp6, $4  }
0x155: {  	[hbm4b:s16+s3] =	stream.linear.scatter [tilespmem:s11], [sflag:$0x6], $0x80, $0x38;
	[tilespmem:$0x12800] =	vst v63  }
0x156: {  	s11 =	sadd.s32 $0x10930, s15;
	s16 =	sadd.s32 $0x60, s10;
	s15 =	sadd.s32 $0x109B8, s15  }
0x157: {  	[hbm4b:s16+s3] =	stream.linear.scatter [tilespmem:s11], [sflag:$0x6], $0x80, $0x38;
	[tilespmem:$0x12800] =	vst v63  }
0x158: {  	s16 =	sadd.s32 $0x70, s10;
	s10 =	sadd.s32 $0x1000, s10;
	s11 =	smov.u32 s17  }
0x159: {  	[hbm4b:s16+s3] =	stream.linear.scatter [tilespmem:s15], [sflag:$0x6], $0x80, $0x38;
	[tilespmem:$0x12800] =	vst v63  }
0x15a: {  	s11 =	sadd.s32 $0x10600, s1  }
0x15b: {  	[hbm4b:s10+s3] =	stream.linear.scatter [tilespmem:s11], [sflag:$0x6], $0x80, $0x38;
	[tilespmem:$0x12800] =	vst v63  }
0x15c: {  	s16 =	sadd.s32 $0x10688, s1;
	s17 =	sadd.s32 $0x10, s10  }
0x15d: {  	[hbm4b:s17+s3] =	stream.linear.scatter [tilespmem:s16], [sflag:$0x6], $0x80, $0x38;
	[tilespmem:$0x12800] =	vst v63  }
0x15e: {  	s16 =	sadd.s32 $0x10710, s1;
	s17 =	sadd.s32 $0x20, s10  }
0x15f: {  	[hbm4b:s17+s3] =	stream.linear.scatter [tilespmem:s16], [sflag:$0x6], $0x80, $0x38;
	[tilespmem:$0x12800] =	vst v63  }
0x160: {  	s16 =	sadd.s32 $0x10798, s1;
	s17 =	sadd.s32 $0x30, s10  }
0x161: {  	[hbm4b:s17+s3] =	stream.linear.scatter [tilespmem:s16], [sflag:$0x6], $0x80, $0x38;
	[tilespmem:$0x12800] =	vst v63  }
0x162: {  	s15 =	sadd.s32 $0x10930, s1;
	s16 =	sadd.s32 $0x10820, s1;
	s17 =	sadd.s32 $0x40, s10  }
0x163: {  	[hbm4b:s17+s3] =	stream.linear.scatter [tilespmem:s16], [sflag:$0x6], $0x80, $0x38;
	[tilespmem:$0x12800] =	vst v63  }
0x164: {  	p0 =	seq.s32 s29, $0x31;
	s16 =	sadd.s32 $0x108A8, s1;
	s17 =	sadd.s32 $0x50, s10  }
0x165: {  	[hbm4b:s17+s3] =	stream.linear.scatter [tilespmem:s16], [sflag:$0x6], $0x80, $0x38;
	[tilespmem:$0x12800] =	vst v63  }
0x166: {  	s0 =	sshll.u32 @!p0 s0, $0x7;
	s11 =	sadd.s32 $0x70, s10;
	s16 =	sadd.s32 $0x60, s10  }
0x167: {  	s17 =	sadd.s32 $0x109B8, s1;
	s1 =	sadd.s32 @!p0 $0x280, s0;
	s10 =	simm.s32 @!p0 $0x80  }
0x168: {  	[hbm4b:s16+s3] =	stream.linear.scatter [tilespmem:s15], [sflag:$0x6], $0x80, $0x38;
	[tilespmem:$0x12800] =	vst v63  }
0x169: {  	s1 =	sand.u32 @!p0 $0xFE80, s1;
	s15 =	simm.s32 $0x0;
	s16 =	simm.s32 $0x1  }
0x16a: {  	[hbm4b:s11+s3] =	stream.linear.scatter [tilespmem:s17], [sflag:$0x6], $0x80, $0x38;
	[tilespmem:$0x12800] =	vst v63  }
0x16b: {  	v33 =	vmov s15;
	v34 =	vmov s16;
	s15 =	simm.s32 $0x4;
	s16 =	simm.s32 $0x7;
	s11 =	simm.s32 @!p0 $0x8400  }
0x16c: {  	v33 =	vshrl.u32 v33, $0x3;
	[tilespmem:s11], [sflag:$0x2] =	stream.indirect.gather @!p0 [hbm4b:s5+s10], $0x40, s1, s10, $0xb8;
	[tilespmem:$0x12800] =	vst v63  }
0x16d: {  	s17 =	simm.s32 $0x2;
	v37 =	vmov s15;
	v38 =	vmov s16;
	v34 =	vshrl.u32 v34, $0x3;
	_ =	swait.ge [sflag:s24], $0x2000  }
0x16e: {  	v35 =	vmov s17;
	s17 =	simm.s32 $0x5;
	v33 =	vshll.u32 v33, v1;
	v38 =	vshrl.u32 v38, $0x3;
	[sflag:s24] =	ssyncset.done $0x0  }
0x16f: {  	v37 =	vshrl.u32 v37, $0x3;
	v34 =	vshll.u32 v34, v1;
	v39 =	vmov s17;
	[sflag:s24] =	ssyncadd.s32 $0xFFFFE000  }
0x170: {  	v38 =	vshll.u32 v38, v1;
	v35 =	vshrl.u32 v35, $0x3;
	v33 =	vbroadcast v33, $0x0;
	_ =	swait.ge [sflag:s25], $0x2000  }
0x171: {  	s11 =	simm.s32 $0x3;
	s10 =	simm.s32 $0x6;
	v45 =	vbroadcast v34, $0x0;
	v54 =	vshll.u32 v37, v1;
	v38 =	vbroadcast v38, $0x0;
	[sflag:s25] =	ssyncset.done $0x0  }
0x172: {  	s1 =	simm.s32 $0xA500;
	v36 =	vmov s11;
	v40 =	vmov s10;
	v52 =	vshll.u32 v35, v1;
	[sflag:s25] =	ssyncadd.s32 $0xFFFFE000  }
0x173: {  	v34 =	vbroadcast v54, $0x0;
	v36 =	vshrl.u32 v36, $0x3;
	v42 =	vadd.s32 v29, v38;
	v41 =	vld [tilespmem:s1+$0xC0]  }
0x174: {  	v44 =	vadd.s32 v0, v33;
	v52 =	vbroadcast v52, $0x0;
	v53 =	vshll.u32 v36, v1;
	v43 =	vld [tilespmem:s1+$0xFFFFFF00]  }
0x175: {  	v55 =	vshrl.u32 v39, $0x3;
	v47 =	vadd.s32 v5, v45;
	v35 =	vbroadcast v53, $0x0;
	v46 =	vld [tilespmem:s1+$0xFFFFFF40]  }
0x176: {  	v40 =	vshrl.u32 v40, $0x3;
	v36 =	vshll.u32 v55, v1;
	v49 =	vadd.s32 v9, v52;
	v48 =	vld [tilespmem:s1+$0xFFFFFF80]  }
0x177: {  	v56 =	vshll.u32 v40, v1;
	v37 =	vbroadcast v36, $0x0;
	v50 =	vadd.s32 v13, v35;
	v39 =	vld [tilespmem:s1+$0xFFFFFFC0]  }
0x178: {  	v53 =	vadd.s32 v17, v34;
	v36 =	vbroadcast v56, $0x0;
	v51 =	vld [tilespmem:s1+$0x0];
	[tilespmem:v42+s20+$0x0] =	vst.idx.msk $0xffff, v41  }
0x179: {  	v60 =	vadd.s32 v21, v37;
	v59 =	vld [tilespmem:s1+$0x40];
	[tilespmem:v44+s20+$0x0] =	vst.idx.msk $0xffff, v43  }
0x17a: {  	v62 =	vadd.s32 v25, v36;
	v61 =	vld [tilespmem:s1+$0x80];
	[tilespmem:v47+s20+$0x0] =	vst.idx.msk $0xffff, v46  }
0x17b: {  	v58 =	vadd.s32 v30, v38;
	[tilespmem:v49+s20+$0x0] =	vst.idx.msk $0xffff, v48;
	v57 =	vld [tilespmem:s1+$0xD0]  }
0x17c: {  	v63 =	vadd.s32 v6, v45;
	[tilespmem:v50+s20+$0x0] =	vst.idx.msk $0xffff, v39;
	v47 =	vld [tilespmem:s1+$0xFFFFFF50]  }
0x17d: {  	v55 =	vadd.s32 v10, v52;
	[tilespmem:v53+s20+$0x0] =	vst.idx.msk $0xffff, v51;
	v54 =	vld [tilespmem:s1+$0xFFFFFF90]  }
0x17e: {  	v56 =	vadd.s32 v14, v35;
	[tilespmem:v60+s20+$0x0] =	vst.idx.msk $0xffff, v59;
	v50 =	vld [tilespmem:s1+$0xFFFFFFD0]  }
0x17f: {  	[tilespmem:v62+s20+$0x0] =	vst.idx.msk $0xffff, v61;
	v46 =	vadd.s32 v22, v37;
	v44 =	vld [tilespmem:s1+$0x50]  }
0x180: {  	v59 =	vadd.s32 v18, v34;
	[tilespmem:v58+s20+$0x0] =	vst.idx.msk $0xffff, v57;
	v58 =	vld [tilespmem:s1+$0x10]  }
0x181: {  	v57 =	vadd.s32 v31, v38;
	[tilespmem:v63+s20+$0x0] =	vst.idx.msk $0xffff, v47;
	v40 =	vld [tilespmem:s1+$0xE0]  }
0x182: {  	v62 =	vadd.s32 v2, v33;
	v61 =	vld [tilespmem:s1+$0xFFFFFF10];
	[tilespmem:v55+s20+$0x0] =	vst.idx.msk $0xffff, v54  }
0x183: {  	v60 =	vadd.s32 v26, v36;
	v63 =	vld [tilespmem:s1+$0x90];
	[tilespmem:v56+s20+$0x0] =	vst.idx.msk $0xffff, v50  }
0x184: {  	v51 =	vadd.s32 v7, v45;
	[tilespmem:v46+s20+$0x0] =	vst.idx.msk $0xffff, v44;
	v50 =	vld [tilespmem:s1+$0xFFFFFF60]  }
0x185: {  	v56 =	vadd.s32 v11, v52;
	v55 =	vld [tilespmem:s1+$0xFFFFFFA0];
	[tilespmem:v59+s20+$0x0] =	vst.idx.msk $0xffff, v58  }
0x186: {  	v58 =	vadd.s32 v15, v35;
	[tilespmem:v57+s20+$0x0] =	vst.idx.msk $0xffff, v40;
	v57 =	vld [tilespmem:s1+$0xFFFFFFE0]  }
0x187: {  	v38 =	vadd.s32 v32, v38;
	[tilespmem:v62+s20+$0x0] =	vst.idx.msk $0xffff, v61;
	v54 =	vld [tilespmem:s1+$0xF0]  }
0x188: {  	s15 =	simm.s32 $0x9;
	[tilespmem:v60+s20+$0x0] =	vst.idx.msk $0xffff, v63;
	v60 =	vadd.s32 v19, v34;
	v59 =	vld [tilespmem:s1+$0x20]  }
0x189: {  	s17 =	simm.s32 $0xB;
	v41 =	vadd.s32 v23, v37;
	v53 =	vmov s15;
	[tilespmem:v51+s20+$0x0] =	vst.idx.msk $0xffff, v50;
	v40 =	vld [tilespmem:s1+$0x60]  }
0x18a: {  	s11 =	simm.s32 $0x8;
	v43 =	vadd.s32 v27, v36;
	s15 =	simm.s32 $0xC;
	v48 =	vadd.s32 v3, v33;
	v44 =	vmov s17;
	v42 =	vld [tilespmem:s1+$0xA0];
	[tilespmem:v56+s20+$0x0] =	vst.idx.msk $0xffff, v55  }
0x18b: {  	s16 =	simm.s32 $0xA;
	v47 =	vmov s15;
	v52 =	vadd.s32 v12, v52;
	v46 =	vld [tilespmem:s1+$0xFFFFFF20];
	v63 =	vmov s11;
	[tilespmem:v58+s20+$0x0] =	vst.idx.msk $0xffff, v57  }
0x18c: {  	s17 =	simm.s32 $0xE;
	v39 =	vshrl.u32 v63, $0x3;
	v51 =	vadd.s32 v8, v45;
	v49 =	vld [tilespmem:s1+$0xFFFFFF70];
	[tilespmem:v38+s20+$0x0] =	vst.idx.msk $0xffff, v54;
	v54 =	vmov s16;
	s16 =	simm.s32 $0xD  }
0x18d: {  	s10 =	simm.s32 $0x10;
	s11 =	simm.s32 $0xF;
	v45 =	vshll.u32 v39, v1;
	v39 =	vmov s17;
	v50 =	vld [tilespmem:s1+$0xFFFFFFB0];
	[tilespmem:v60+s20+$0x0] =	vst.idx.msk $0xffff, v59;
	v38 =	vmov s16  }
.LBB2_15:
0x18e: {  	p1 =	slt.u32 s10, $0x78;
	v53 =	vshrl.u32 v53, $0x3;
	v55 =	vmov s11;
	v56 =	vld [tilespmem:s1+$0xFFFFFFF0];
	v35 =	vadd.s32 v16, v35;
	[tilespmem:v41+s20+$0x0] =	vst.idx.msk $0xffff, v40  }
0x18f: {  	v40 =	vshrl.u32 v54, $0x3;
	v34 =	vadd.s32 v20, v34;
	v41 =	vshrl.u32 v55, $0x3;
	v54 =	vld [tilespmem:s1+$0x30];
	[tilespmem:v43+s20+$0x0] =	vst.idx.msk $0xffff, v42  }
0x190: {  	v37 =	vadd.s32 v24, v37;
	v42 =	vshrl.u32 v44, $0x3;
	v41 =	vshll.u32 v41, v1;
	[tilespmem:v48+s20+$0x0] =	vst.idx.msk $0xffff, v46;
	v43 =	vld [tilespmem:s1+$0x70]  }
0x191: {  	v36 =	vadd.s32 v28, v36;
	v44 =	vshrl.u32 v47, $0x3;
	v41 =	vbroadcast v41, $0x0;
	[tilespmem:v51+s20+$0x0] =	vst.idx.msk $0xffff, v49;
	v46 =	vld [tilespmem:s1+$0xB0]  }
0x192: {  	v47 =	vshll.u32 v53, v1;
	v49 =	vadd.s32 v4, v33;
	v33 =	vbroadcast v45, $0x0;
	v48 =	vld [tilespmem:s1+$0xFFFFFF30];
	[tilespmem:v52+s20+$0x0] =	vst.idx.msk $0xffff, v50;
	s1 =	sadd.s32 $0x200, s1  }
0x193: {  	v40 =	vshll.u32 v40, v1;
	v45 =	vbroadcast v47, $0x0;
	v47 =	vld [tilespmem:s1+$0xC0];
	v50 =	vadd.s32 v29, v41;
	[tilespmem:v35+s20+$0x0] =	vst.idx.msk $0xffff, v56  }
0x194: {  	v55 =	vbroadcast v40, $0x0;
	v52 =	vadd.s32 v0, v33;
	v35 =	vshll.u32 v42, v1;
	v51 =	vld [tilespmem:s1+$0xFFFFFF00];
	[tilespmem:v34+s20+$0x0] =	vst.idx.msk $0xffff, v54  }
0x195: {  	v42 =	vadd.s32 v5, v45;
	v35 =	vbroadcast v35, $0x0;
	v34 =	vshll.u32 v44, v1;
	v40 =	vld [tilespmem:s1+$0xFFFFFF40];
	[tilespmem:v37+s20+$0x0] =	vst.idx.msk $0xffff, v43  }
0x196: {  	v44 =	vadd.s32 v9, v55;
	v34 =	vbroadcast v34, $0x0;
	v37 =	vshrl.u32 v38, $0x3;
	v43 =	vld [tilespmem:s1+$0xFFFFFF80];
	[tilespmem:v36+s20+$0x0] =	vst.idx.msk $0xffff, v46  }
0x197: {  	v39 =	vshrl.u32 v39, $0x3;
	v46 =	vadd.s32 v13, v35;
	v36 =	vshll.u32 v37, v1;
	v38 =	vld [tilespmem:s1+$0xFFFFFFC0];
	[tilespmem:v49+s20+$0x0] =	vst.idx.msk $0xffff, v48  }
0x198: {  	v49 =	vadd.s32 v17, v34;
	v37 =	vbroadcast v36, $0x0;
	v36 =	vshll.u32 v39, v1;
	v48 =	vld [tilespmem:s1+$0x0];
	[tilespmem:v50+s20+$0x0] =	vst.idx.msk $0xffff, v47  }
0x199: {  	v36 =	vbroadcast v36, $0x0;
	v47 =	vadd.s32 v30, v41;
	[tilespmem:v52+s20+$0x0] =	vst.idx.msk $0xffff, v51;
	v39 =	vld [tilespmem:s1+$0xD0]  }
0x19a: {  	[tilespmem:v42+s20+$0x0] =	vst.idx.msk $0xffff, v40;
	v40 =	vld [tilespmem:s1+$0x40];
	v42 =	vadd.s32 v21, v37  }
0x19b: {  	[tilespmem:v44+s20+$0x0] =	vst.idx.msk $0xffff, v43;
	v43 =	vld [tilespmem:s1+$0x80];
	v44 =	vadd.s32 v25, v36  }
0x19c: {  	v51 =	vadd.s32 v6, v45;
	v50 =	vld [tilespmem:s1+$0xFFFFFF50];
	[tilespmem:v46+s20+$0x0] =	vst.idx.msk $0xffff, v38  }
0x19d: {  	v46 =	vadd.s32 v10, v55;
	v38 =	vld [tilespmem:s1+$0xFFFFFF90];
	[tilespmem:v49+s20+$0x0] =	vst.idx.msk $0xffff, v48  }
0x19e: {  	v49 =	vadd.s32 v14, v35;
	v48 =	vld [tilespmem:s1+$0xFFFFFFD0];
	[tilespmem:v47+s20+$0x0] =	vst.idx.msk $0xffff, v39  }
0x19f: {  	[tilespmem:v42+s20+$0x0] =	vst.idx.msk $0xffff, v40;
	v39 =	vld [tilespmem:s1+$0xE0];
	v40 =	vadd.s32 v31, v41  }
0x1a0: {  	v47 =	vadd.s32 v18, v34;
	v42 =	vld [tilespmem:s1+$0x10];
	[tilespmem:v44+s20+$0x0] =	vst.idx.msk $0xffff, v43  }
0x1a1: {  	v44 =	vadd.s32 v22, v37;
	[tilespmem:v51+s20+$0x0] =	vst.idx.msk $0xffff, v50;
	v43 =	vld [tilespmem:s1+$0x50]  }
0x1a2: {  	[tilespmem:v46+s20+$0x0] =	vst.idx.msk $0xffff, v38;
	v38 =	vld [tilespmem:s1+$0x90];
	v46 =	vadd.s32 v26, v36  }
0x1a3: {  	v51 =	vadd.s32 v2, v33;
	v50 =	vld [tilespmem:s1+$0xFFFFFF10];
	[tilespmem:v49+s20+$0x0] =	vst.idx.msk $0xffff, v48  }
0x1a4: {  	v49 =	vadd.s32 v7, v45;
	v48 =	vld [tilespmem:s1+$0xFFFFFF60];
	[tilespmem:v40+s20+$0x0] =	vst.idx.msk $0xffff, v39  }
0x1a5: {  	[tilespmem:v47+s20+$0x0] =	vst.idx.msk $0xffff, v42;
	v39 =	vld [tilespmem:s1+$0xF0];
	v47 =	vadd.s32 v32, v41  }
0x1a6: {  	v56 =	vadd.s32 v11, v55;
	v52 =	vld [tilespmem:s1+$0xFFFFFFA0];
	[tilespmem:v44+s20+$0x0] =	vst.idx.msk $0xffff, v43  }
0x1a7: {  	v58 =	vadd.s32 v15, v35;
	v57 =	vld [tilespmem:s1+$0xFFFFFFE0];
	[tilespmem:v46+s20+$0x0] =	vst.idx.msk $0xffff, v38  }
0x1a8: {  	v60 =	vadd.s32 v19, v34;
	[tilespmem:v51+s20+$0x0] =	vst.idx.msk $0xffff, v50;
	v59 =	vld [tilespmem:s1+$0x20]  }
.Ltmp7:
0x1a9: {  	s11 =	sadd.s32 $0x1, s10;
	v41 =	vadd.s32 v23, v37;
	v38 =	vmov s10;
	[tilespmem:v49+s20+$0x0] =	vst.idx.msk $0xffff, v48;
	v40 =	vld [tilespmem:s1+$0x60];
	(pc) =	sbr.rel @p1 .LBB2_15-.Ltmp7, $4  }
0x1aa: {  	s15 =	sadd.s32 $0x3, s10;
	v53 =	vmov s11;
	s11 =	sadd.s32 $0x2, s10;
	v43 =	vadd.s32 v27, v36;
	v50 =	vshrl.u32 v38, $0x3;
	v42 =	vld [tilespmem:s1+$0xA0];
	[tilespmem:v47+s20+$0x0] =	vst.idx.msk $0xffff, v39  }
0x1ab: {  	v54 =	vmov s11;
	s11 =	sadd.s32 $0x4, s10;
	v44 =	vmov s15;
	s15 =	sadd.s32 $0x5, s10;
	v48 =	vadd.s32 v3, v33;
	v46 =	vld [tilespmem:s1+$0xFFFFFF20];
	[tilespmem:v56+s20+$0x0] =	vst.idx.msk $0xffff, v52  }
0x1ac: {  	v38 =	vmov s15;
	v51 =	vadd.s32 v8, v45;
	v47 =	vmov s11;
	s11 =	sadd.s32 $0x6, s10;
	v49 =	vld [tilespmem:s1+$0xFFFFFF70];
	[tilespmem:v58+s20+$0x0] =	vst.idx.msk $0xffff, v57  }
0x1ad: {  	v45 =	vshll.u32 v50, v1;
	v39 =	vmov s11;
	s11 =	sadd.s32 $0x7, s10;
	s10 =	sadd.s32 $0x8, s10;
	v52 =	vadd.s32 v12, v55;
	v50 =	vld [tilespmem:s1+$0xFFFFFFB0];
	[tilespmem:v60+s20+$0x0] =	vst.idx.msk $0xffff, v59  }
0x1ae: {  	_ =	sdelay $0x2  }
0x1af: {  	v53 =	vshrl.u32 v53, $0x3  }
0x1b0: {  	v55 =	vmov s11;
	v56 =	vld [tilespmem:s1+$0xFFFFFFF0];
	v35 =	vadd.s32 v16, v35;
	[tilespmem:v41+s20+$0x0] =	vst.idx.msk $0xffff, v40;
	v57 =	vshrl.u32 v54, $0x3  }
0x1b1: {  	v59 =	vld [tilespmem:s1+$0x30];
	v34 =	vadd.s32 v20, v34;
	v60 =	vshrl.u32 v44, $0x3;
	v58 =	vshrl.u32 v55, $0x3;
	[tilespmem:v43+s20+$0x0] =	vst.idx.msk $0xffff, v42  }
0x1b2: {  	v37 =	vadd.s32 v24, v37;
	v62 =	vshrl.u32 v47, $0x3;
	v61 =	vld [tilespmem:s1+$0x70];
	v41 =	vshll.u32 v58, v1;
	[tilespmem:v48+s20+$0x0] =	vst.idx.msk $0xffff, v46  }
0x1b3: {  	v36 =	vadd.s32 v28, v36;
	v45 =	vbroadcast v45, $0x0;
	v63 =	vld [tilespmem:s1+$0xB0];
	v41 =	vbroadcast v41, $0x0;
	[tilespmem:v51+s20+$0x0] =	vst.idx.msk $0xffff, v49  }
0x1b4: {  	v33 =	vadd.s32 v4, v33;
	s10 =	sadd.s32 $0x200, s1;
	v38 =	vshrl.u32 v38, $0x3;
	v55 =	vshll.u32 v53, v1;
	v48 =	vld [tilespmem:s1+$0xFFFFFF30];
	[tilespmem:v52+s20+$0x0] =	vst.idx.msk $0xffff, v50  }
0x1b5: {  	v40 =	vshll.u32 v57, v1;
	v47 =	vbroadcast v55, $0x0;
	v49 =	vld [tilespmem:s10+$0xC0];
	v50 =	vadd.s32 v29, v41;
	[tilespmem:v35+s20+$0x0] =	vst.idx.msk $0xffff, v56  }
0x1b6: {  	v42 =	vshll.u32 v60, v1;
	v40 =	vbroadcast v40, $0x0;
	v35 =	vld [tilespmem:s10+$0xFFFFFF00];
	v56 =	vadd.s32 v0, v45;
	[tilespmem:v34+s20+$0x0] =	vst.idx.msk $0xffff, v59  }
0x1b7: {  	v57 =	vld [tilespmem:s10+$0xFFFFFF40];
	v44 =	vshll.u32 v62, v1;
	v42 =	vbroadcast v42, $0x0;
	v58 =	vadd.s32 v5, v47;
	[tilespmem:v37+s20+$0x0] =	vst.idx.msk $0xffff, v61  }
0x1b8: {  	v38 =	vshll.u32 v38, v1;
	v44 =	vbroadcast v44, $0x0;
	v60 =	vadd.s32 v9, v40;
	v59 =	vld [tilespmem:s10+$0xFFFFFF80];
	[tilespmem:v36+s20+$0x0] =	vst.idx.msk $0xffff, v63  }
0x1b9: {  	v38 =	vbroadcast v38, $0x0;
	v62 =	vadd.s32 v13, v42;
	v61 =	vld [tilespmem:s10+$0xFFFFFFC0];
	[tilespmem:v33+s20+$0x0] =	vst.idx.msk $0xffff, v48  }
0x1ba: {  	v39 =	vshrl.u32 v39, $0x3;
	v63 =	vadd.s32 v17, v44;
	v33 =	vld [tilespmem:s10+$0x0];
	[tilespmem:v50+s20+$0x0] =	vst.idx.msk $0xffff, v49  }
0x1bb: {  	v39 =	vshll.u32 v39, v1;
	v34 =	vld [tilespmem:s10+$0x40];
	[tilespmem:v56+s20+$0x0] =	vst.idx.msk $0xffff, v35;
	v56 =	vadd.s32 v21, v38  }
0x1bc: {  	[tilespmem:v58+s20+$0x0] =	vst.idx.msk $0xffff, v57;
	v35 =	vbroadcast v39, $0x0;
	v49 =	vadd.s32 v30, v41;
	v39 =	vld [tilespmem:s10+$0xD0]  }
0x1bd: {  	[tilespmem:v60+s20+$0x0] =	vst.idx.msk $0xffff, v59;
	v59 =	vld [tilespmem:s10+$0xFFFFFF50];
	v60 =	vadd.s32 v6, v47  }
0x1be: {  	v57 =	vld [tilespmem:s10+$0x80];
	[tilespmem:v62+s20+$0x0] =	vst.idx.msk $0xffff, v61;
	v58 =	vadd.s32 v25, v35  }
0x1bf: {  	v61 =	vld [tilespmem:s10+$0xFFFFFF90];
	v62 =	vadd.s32 v10, v40;
	[tilespmem:v63+s20+$0x0] =	vst.idx.msk $0xffff, v33  }
0x1c0: {  	v33 =	vld [tilespmem:s10+$0xFFFFFFD0];
	v63 =	vadd.s32 v14, v42;
	[tilespmem:v56+s20+$0x0] =	vst.idx.msk $0xffff, v34  }
0x1c1: {  	v56 =	vadd.s32 v18, v44;
	[tilespmem:v49+s20+$0x0] =	vst.idx.msk $0xffff, v39;
	v49 =	vld [tilespmem:s10+$0x10]  }
0x1c2: {  	[tilespmem:v60+s20+$0x0] =	vst.idx.msk $0xffff, v59;
	v39 =	vadd.s32 v31, v41;
	v34 =	vld [tilespmem:s10+$0xE0]  }
0x1c3: {  	[tilespmem:v58+s20+$0x0] =	vst.idx.msk $0xffff, v57;
	v57 =	vld [tilespmem:s10+$0x50];
	v58 =	vadd.s32 v22, v38  }
0x1c4: {  	[tilespmem:v62+s20+$0x0] =	vst.idx.msk $0xffff, v61;
	v61 =	vld [tilespmem:s10+$0xFFFFFF10];
	v62 =	vadd.s32 v2, v45  }
0x1c5: {  	v60 =	vadd.s32 v26, v35;
	v59 =	vld [tilespmem:s10+$0x90];
	[tilespmem:v63+s20+$0x0] =	vst.idx.msk $0xffff, v33  }
0x1c6: {  	v55 =	vadd.s32 v11, v40;
	v54 =	vadd.s32 v32, v41;
	v41 =	vld [tilespmem:s10+$0xFFFFFFA0];
	[tilespmem:v56+s20+$0x0] =	vst.idx.msk $0xffff, v49  }
0x1c7: {  	v53 =	vadd.s32 v7, v47;
	v63 =	vld [tilespmem:s10+$0xFFFFFF60];
	[tilespmem:v39+s20+$0x0] =	vst.idx.msk $0xffff, v34  }
0x1c8: {  	v56 =	vld [tilespmem:s10+$0xFFFFFFE0];
	[tilespmem:v58+s20+$0x0] =	vst.idx.msk $0xffff, v57;
	v57 =	vadd.s32 v15, v42  }
0x1c9: {  	[tilespmem:v62+s20+$0x0] =	vst.idx.msk $0xffff, v61;
	v34 =	vld [tilespmem:s10+$0xF0]  }
0x1ca: {  	v58 =	vld [tilespmem:s10+$0x20];
	[tilespmem:v60+s20+$0x0] =	vst.idx.msk $0xffff, v59;
	v59 =	vadd.s32 v19, v44  }
0x1cb: {  	v61 =	vadd.s32 v23, v38;
	[tilespmem:v55+s20+$0x0] =	vst.idx.msk $0xffff, v41;
	v60 =	vld [tilespmem:s10+$0x60]  }
0x1cc: {  	[tilespmem:v53+s20+$0x0] =	vst.idx.msk $0xffff, v63;
	v63 =	vadd.s32 v27, v35;
	v62 =	vld [tilespmem:s10+$0xA0]  }
0x1cd: {  	v47 =	vadd.s32 v8, v47;
	v55 =	vld [tilespmem:s10+$0xFFFFFF70];
	[tilespmem:v57+s20+$0x0] =	vst.idx.msk $0xffff, v56  }
0x1ce: {  	v53 =	vld [tilespmem:s10+$0xFFFFFF20];
	[tilespmem:v54+s20+$0x0] =	vst.idx.msk $0xffff, v34;
	v54 =	vadd.s32 v3, v45  }
0x1cf: {  	v40 =	vadd.s32 v12, v40;
	v56 =	vld [tilespmem:s10+$0xFFFFFFB0];
	[tilespmem:v59+s20+$0x0] =	vst.idx.msk $0xffff, v58  }
0x1d0: {  	v42 =	vadd.s32 v16, v42;
	v57 =	vld [tilespmem:s10+$0xFFFFFFF0];
	[tilespmem:v61+s20+$0x0] =	vst.idx.msk $0xffff, v60  }
0x1d1: {  	v59 =	vadd.s32 v20, v44;
	v58 =	vld [tilespmem:s10+$0x30];
	[tilespmem:v63+s20+$0x0] =	vst.idx.msk $0xffff, v62  }
0x1d2: {  	v38 =	vadd.s32 v24, v38;
	v60 =	vld [tilespmem:s10+$0x70];
	[tilespmem:v47+s20+$0x0] =	vst.idx.msk $0xffff, v55  }
0x1d3: {  	v35 =	vadd.s32 v28, v35;
	v61 =	vld [tilespmem:s10+$0xB0];
	[tilespmem:v54+s20+$0x0] =	vst.idx.msk $0xffff, v53  }
0x1d4: {  	v63 =	vadd.s32 v4, v45;
	[tilespmem:v40+s20+$0x0] =	vst.idx.msk $0xffff, v56;
	v62 =	vld [tilespmem:s10+$0xFFFFFF30]  }
0x1d5: {  	[tilespmem:v42+s20+$0x0] =	vst.idx.msk $0xffff, v57  }
0x1d6: {  	[tilespmem:v59+s20+$0x0] =	vst.idx.msk $0xffff, v58  }
0x1d7: {  	[tilespmem:v38+s20+$0x0] =	vst.idx.msk $0xffff, v60  }
0x1d8: {  	[tilespmem:v35+s20+$0x0] =	vst.idx.msk $0xffff, v61  }
0x1d9: {  	s11 =	simm.s32 $0xE400;
	s10 =	sadd.s32 s31, s8;
	[tilespmem:v63+s20+$0x0] =	vst.idx.msk $0xffff, v62  }
0x1da: {  	[hbm4b:s10+s3] =	stream.linear.scatter [tilespmem:s11], [sflag:$0x5], $0x80, $0x38;
	[tilespmem:$0x12800] =	vst v63  }
0x1db: {  	s15 =	simm.s32 $0xE488;
	s16 =	sadd.s32 $0x10, s10  }
0x1dc: {  	[hbm4b:s16+s3] =	stream.linear.scatter [tilespmem:s15], [sflag:$0x5], $0x80, $0x38;
	[tilespmem:$0x12800] =	vst v63  }
0x1dd: {  	s17 =	simm.s32 $0xE510;
	s1 =	simm.s32 $0x440;
	s31 =	sadd.s32 $0x20, s10  }
0x1de: {  	[hbm4b:s31+s3] =	stream.linear.scatter [tilespmem:s17], [sflag:$0x5], $0x80, $0x38;
	[tilespmem:$0x12800] =	vst v63  }
0x1df: {  	s11 =	simm.s32 $0x2200;
	s15 =	simm.s32 $0xE598;
	s16 =	sadd.s32 $0x30, s10  }
0x1e0: {  	[hbm4b:s16+s3] =	stream.linear.scatter [tilespmem:s15], [sflag:$0x5], $0x80, $0x38;
	[tilespmem:$0x12800] =	vst v63  }
0x1e1: {  	s17 =	simm.s32 $0xE620;
	s31 =	sadd.s32 $0x40, s10;
	s15 =	simm.s32 $0xE6A8  }
0x1e2: {  	[hbm4b:s31+s3] =	stream.linear.scatter [tilespmem:s17], [sflag:$0x5], $0x80, $0x38;
	[tilespmem:$0x12800] =	vst v63  }
0x1e3: {  	s16 =	sadd.s32 $0x50, s10;
	s17 =	simm.s32 $0xE730;
	s31 =	sadd.s32 $0x60, s10  }
0x1e4: {  	[hbm4b:s16+s3] =	stream.linear.scatter [tilespmem:s15], [sflag:$0x5], $0x80, $0x38;
	[tilespmem:$0x12800] =	vst v63  }
0x1e5: {  	s15 =	simm.s32 $0xE7B8;
	s16 =	sadd.s32 $0x70, s10;
	s10 =	sadd.s32 $0x1000, s10  }
0x1e6: {  	[hbm4b:s31+s3] =	stream.linear.scatter [tilespmem:s17], [sflag:$0x5], $0x80, $0x38;
	[tilespmem:$0x12800] =	vst v63  }
.LBB2_17:
0x1e7: {  	[hbm4b:s16+s3] =	stream.linear.scatter [tilespmem:s15], [sflag:$0x5], $0x80, $0x38;
	[tilespmem:$0x12800] =	vst v63  }
0x1e8: {  	s15 =	smov.u32 s1;
	s1 =	smov.u32 s11  }
0x1e9: {  	s17 =	sadd.s32 $0x1100, s11;
	s1 =	sshra.s32 s1, $0x2;
	s16 =	sadd.s32 $0xE400, s15  }
0x1ea: {  	[hbm4b:s10+s3] =	stream.linear.scatter [tilespmem:s16], [sflag:$0x5], $0x80, $0x38;
	[tilespmem:$0x12800] =	vst v63  }
0x1eb: {  	p1 =	sne.s32 s11, $0x7700;
	s11 =	sadd.s32 $0xE488, s15;
	s16 =	sadd.s32 $0x10, s10  }
0x1ec: {  	[hbm4b:s16+s3] =	stream.linear.scatter [tilespmem:s11], [sflag:$0x5], $0x80, $0x38;
	[tilespmem:$0x12800] =	vst v63  }
0x1ed: {  	s11 =	sadd.s32 $0xE510, s15;
	s16 =	sadd.s32 $0x20, s10  }
0x1ee: {  	[hbm4b:s16+s3] =	stream.linear.scatter [tilespmem:s11], [sflag:$0x5], $0x80, $0x38;
	[tilespmem:$0x12800] =	vst v63  }
0x1ef: {  	s11 =	sadd.s32 $0xE598, s15;
	s16 =	sadd.s32 $0x30, s10  }
0x1f0: {  	[hbm4b:s16+s3] =	stream.linear.scatter [tilespmem:s11], [sflag:$0x5], $0x80, $0x38;
	[tilespmem:$0x12800] =	vst v63  }
0x1f1: {  	s11 =	sadd.s32 $0xE620, s15;
	s16 =	sadd.s32 $0x40, s10  }
0x1f2: {  	[hbm4b:s16+s3] =	stream.linear.scatter [tilespmem:s11], [sflag:$0x5], $0x80, $0x38;
	[tilespmem:$0x12800] =	vst v63  }
.Ltmp8:
0x1f3: {  	s11 =	sadd.s32 $0xE6A8, s15;
	s16 =	sadd.s32 $0x50, s10;
	(pc) =	sbr.rel @p1 .LBB2_17-.Ltmp8, $4  }
0x1f4: {  	[hbm4b:s16+s3] =	stream.linear.scatter [tilespmem:s11], [sflag:$0x5], $0x80, $0x38;
	[tilespmem:$0x12800] =	vst v63  }
0x1f5: {  	s11 =	sadd.s32 $0xE730, s15;
	s16 =	sadd.s32 $0x60, s10;
	s15 =	sadd.s32 $0xE7B8, s15  }
0x1f6: {  	[hbm4b:s16+s3] =	stream.linear.scatter [tilespmem:s11], [sflag:$0x5], $0x80, $0x38;
	[tilespmem:$0x12800] =	vst v63  }
0x1f7: {  	s16 =	sadd.s32 $0x70, s10;
	s10 =	sadd.s32 $0x1000, s10;
	s11 =	smov.u32 s17  }
0x1f8: {  	[hbm4b:s16+s3] =	stream.linear.scatter [tilespmem:s15], [sflag:$0x5], $0x80, $0x38;
	[tilespmem:$0x12800] =	vst v63  }
0x1f9: {  	s11 =	sadd.s32 $0xE400, s1  }
0x1fa: {  	[hbm4b:s10+s3] =	stream.linear.scatter [tilespmem:s11], [sflag:$0x5], $0x80, $0x38;
	[tilespmem:$0x12800] =	vst v63  }
0x1fb: {  	s15 =	sadd.s32 $0xE488, s1;
	s16 =	sadd.s32 $0x10, s10  }
0x1fc: {  	[hbm4b:s16+s3] =	stream.linear.scatter [tilespmem:s15], [sflag:$0x5], $0x80, $0x38;
	[tilespmem:$0x12800] =	vst v63  }
0x1fd: {  	s17 =	sadd.s32 $0xE510, s1;
	s31 =	sadd.s32 $0x20, s10  }
0x1fe: {  	[hbm4b:s31+s3] =	stream.linear.scatter [tilespmem:s17], [sflag:$0x5], $0x80, $0x38;
	[tilespmem:$0x12800] =	vst v63  }
0x1ff: {  	s0 =	sadd.s32 @!p0 $0x300, s0;
	s15 =	sadd.s32 $0xE598, s1;
	s16 =	sadd.s32 $0x30, s10  }
0x200: {  	[hbm4b:s16+s3] =	stream.linear.scatter [tilespmem:s15], [sflag:$0x5], $0x80, $0x38;
	[tilespmem:$0x12800] =	vst v63  }
0x201: {  	s0 =	sand.u32 @!p0 $0xFF00, s0;
	s17 =	sadd.s32 $0xE620, s1;
	s31 =	sadd.s32 $0x40, s10  }
0x202: {  	[hbm4b:s31+s3] =	stream.linear.scatter [tilespmem:s17], [sflag:$0x5], $0x80, $0x38;
	[tilespmem:$0x12800] =	vst v63  }
0x203: {  	s11 =	sadd.s32 $0xE7B8, s1;
	s15 =	sadd.s32 $0xE6A8, s1;
	s16 =	sadd.s32 $0x50, s10  }
0x204: {  	[hbm4b:s16+s3] =	stream.linear.scatter [tilespmem:s15], [sflag:$0x5], $0x80, $0x38;
	[tilespmem:$0x12800] =	vst v63  }
0x205: {  	s17 =	sadd.s32 $0xE730, s1;
	s31 =	sadd.s32 $0x60, s10;
	s1 =	simm.s32 @!p0 $0x80  }
0x206: {  	[hbm4b:s31+s3] =	stream.linear.scatter [tilespmem:s17], [sflag:$0x5], $0x80, $0x38;
	[tilespmem:$0x12800] =	vst v63  }
0x207: {  	s15 =	sadd.s32 $0x70, s10;
	s10 =	simm.s32 @!p0 $0xA400;
	s16 =	simm.s32 $0x0  }
0x208: {  	[hbm4b:s15+s3] =	stream.linear.scatter [tilespmem:s11], [sflag:$0x5], $0x80, $0x38;
	[tilespmem:$0x12800] =	vst v63  }
0x209: {  	v33 =	vmov s16;
	s16 =	simm.s32 $0x5;
	s17 =	simm.s32 $0x1;
	s31 =	simm.s32 $0x2  }
0x20a: {  	v33 =	vshrl.u32 v33, $0x3;
	v39 =	vmov s16;
	[tilespmem:s10], [sflag:$0x3] =	stream.indirect.gather @!p0 [hbm4b:s5+s1], $0x40, s0, s1, $0xb8;
	[tilespmem:$0x12800] =	vst v63  }
0x20b: {  	v34 =	vmov s17;
	v35 =	vmov s31;
	s17 =	simm.s32 $0x6;
	v33 =	vshll.u32 v33, v1;
	s15 =	simm.s32 $0x7;
	_ =	swait.ge [sflag:s26], $0x2000  }
0x20c: {  	v55 =	vshrl.u32 v39, $0x3;
	v40 =	vmov s17;
	v38 =	vmov s15;
	[sflag:s26] =	ssyncset.done $0x0  }
0x20d: {  	s11 =	simm.s32 $0x4;
	v34 =	vshrl.u32 v34, $0x3;
	v35 =	vshrl.u32 v35, $0x3;
	v38 =	vshrl.u32 v38, $0x3;
	[sflag:s26] =	ssyncadd.s32 $0xFFFFE000  }
0x20e: {  	v33 =	vbroadcast v33, $0x0;
	v37 =	vmov s11;
	v38 =	vshll.u32 v38, v1;
	_ =	swait.ge [sflag:s22], $0x2000  }
0x20f: {  	v34 =	vshll.u32 v34, v1;
	v52 =	vshll.u32 v35, v1;
	s10 =	simm.s32 $0x3;
	v38 =	vbroadcast v38, $0x0;
	[sflag:s22] =	ssyncset.done $0x0  }
0x210: {  	v40 =	vshrl.u32 v40, $0x3;
	s0 =	simm.s32 $0xC500;
	v37 =	vshrl.u32 v37, $0x3;
	v36 =	vmov s10;
	[sflag:s22] =	ssyncadd.s32 $0xFFFFE000  }
0x211: {  	v45 =	vbroadcast v34, $0x0;
	v36 =	vshrl.u32 v36, $0x3;
	v42 =	vadd.s32 v29, v38;
	v41 =	vld [tilespmem:s0+$0xC0]  }
0x212: {  	v44 =	vadd.s32 v0, v33;
	v52 =	vbroadcast v52, $0x0;
	v53 =	vshll.u32 v36, v1;
	v43 =	vld [tilespmem:s0+$0xFFFFFF00]  }
0x213: {  	v54 =	vshll.u32 v37, v1;
	v47 =	vadd.s32 v5, v45;
	v35 =	vbroadcast v53, $0x0;
	v46 =	vld [tilespmem:s0+$0xFFFFFF40]  }
0x214: {  	v49 =	vadd.s32 v9, v52;
	v34 =	vbroadcast v54, $0x0;
	v36 =	vshll.u32 v55, v1;
	v48 =	vld [tilespmem:s0+$0xFFFFFF80]  }
0x215: {  	v56 =	vshll.u32 v40, v1;
	v37 =	vbroadcast v36, $0x0;
	v50 =	vadd.s32 v13, v35;
	v39 =	vld [tilespmem:s0+$0xFFFFFFC0]  }
0x216: {  	v53 =	vadd.s32 v17, v34;
	v36 =	vbroadcast v56, $0x0;
	v51 =	vld [tilespmem:s0+$0x0];
	[tilespmem:v42+s23+$0x0] =	vst.idx.msk $0xffff, v41  }
0x217: {  	v60 =	vadd.s32 v21, v37;
	v59 =	vld [tilespmem:s0+$0x40];
	[tilespmem:v44+s23+$0x0] =	vst.idx.msk $0xffff, v43  }
0x218: {  	v62 =	vadd.s32 v25, v36;
	v61 =	vld [tilespmem:s0+$0x80];
	[tilespmem:v47+s23+$0x0] =	vst.idx.msk $0xffff, v46  }
0x219: {  	v58 =	vadd.s32 v30, v38;
	[tilespmem:v49+s23+$0x0] =	vst.idx.msk $0xffff, v48;
	v57 =	vld [tilespmem:s0+$0xD0]  }
0x21a: {  	v63 =	vadd.s32 v6, v45;
	[tilespmem:v50+s23+$0x0] =	vst.idx.msk $0xffff, v39;
	v47 =	vld [tilespmem:s0+$0xFFFFFF50]  }
0x21b: {  	v55 =	vadd.s32 v10, v52;
	[tilespmem:v53+s23+$0x0] =	vst.idx.msk $0xffff, v51;
	v54 =	vld [tilespmem:s0+$0xFFFFFF90]  }
0x21c: {  	v56 =	vadd.s32 v14, v35;
	[tilespmem:v60+s23+$0x0] =	vst.idx.msk $0xffff, v59;
	v50 =	vld [tilespmem:s0+$0xFFFFFFD0]  }
0x21d: {  	[tilespmem:v62+s23+$0x0] =	vst.idx.msk $0xffff, v61;
	v46 =	vadd.s32 v22, v37;
	v44 =	vld [tilespmem:s0+$0x50]  }
0x21e: {  	v59 =	vadd.s32 v18, v34;
	[tilespmem:v58+s23+$0x0] =	vst.idx.msk $0xffff, v57;
	v58 =	vld [tilespmem:s0+$0x10]  }
0x21f: {  	v57 =	vadd.s32 v31, v38;
	[tilespmem:v63+s23+$0x0] =	vst.idx.msk $0xffff, v47;
	v40 =	vld [tilespmem:s0+$0xE0]  }
0x220: {  	v60 =	vadd.s32 v26, v36;
	[tilespmem:v55+s23+$0x0] =	vst.idx.msk $0xffff, v54;
	v63 =	vld [tilespmem:s0+$0x90]  }
0x221: {  	v62 =	vadd.s32 v2, v33;
	v61 =	vld [tilespmem:s0+$0xFFFFFF10];
	[tilespmem:v56+s23+$0x0] =	vst.idx.msk $0xffff, v50  }
0x222: {  	v51 =	vadd.s32 v7, v45;
	[tilespmem:v46+s23+$0x0] =	vst.idx.msk $0xffff, v44;
	v50 =	vld [tilespmem:s0+$0xFFFFFF60]  }
0x223: {  	v56 =	vadd.s32 v11, v52;
	v55 =	vld [tilespmem:s0+$0xFFFFFFA0];
	[tilespmem:v59+s23+$0x0] =	vst.idx.msk $0xffff, v58  }
0x224: {  	v58 =	vadd.s32 v15, v35;
	[tilespmem:v57+s23+$0x0] =	vst.idx.msk $0xffff, v40;
	v57 =	vld [tilespmem:s0+$0xFFFFFFE0]  }
0x225: {  	[tilespmem:v60+s23+$0x0] =	vst.idx.msk $0xffff, v63;
	v60 =	vadd.s32 v19, v34;
	v59 =	vld [tilespmem:s0+$0x20]  }
0x226: {  	s10 =	simm.s32 $0x9;
	v38 =	vadd.s32 v32, v38;
	[tilespmem:v62+s23+$0x0] =	vst.idx.msk $0xffff, v61;
	v54 =	vld [tilespmem:s0+$0xF0]  }
0x227: {  	s31 =	simm.s32 $0x8;
	v41 =	vadd.s32 v23, v37;
	v53 =	vmov s10;
	[tilespmem:v51+s23+$0x0] =	vst.idx.msk $0xffff, v50;
	v40 =	vld [tilespmem:s0+$0x60]  }
0x228: {  	s16 =	simm.s32 $0xC;
	s15 =	simm.s32 $0xB;
	v43 =	vadd.s32 v27, v36;
	v48 =	vadd.s32 v3, v33;
	v63 =	vmov s31;
	v42 =	vld [tilespmem:s0+$0xA0];
	[tilespmem:v56+s23+$0x0] =	vst.idx.msk $0xffff, v55  }
0x229: {  	v44 =	vmov s15;
	v47 =	vmov s16;
	v46 =	vld [tilespmem:s0+$0xFFFFFF20];
	s31 =	simm.s32 $0xE;
	v39 =	vshrl.u32 v63, $0x3;
	[tilespmem:v58+s23+$0x0] =	vst.idx.msk $0xffff, v57  }
0x22a: {  	s17 =	simm.s32 $0xD;
	s11 =	simm.s32 $0xA;
	v51 =	vadd.s32 v8, v45;
	v49 =	vld [tilespmem:s0+$0xFFFFFF70];
	v45 =	vshll.u32 v39, v1;
	v39 =	vmov s31;
	[tilespmem:v60+s23+$0x0] =	vst.idx.msk $0xffff, v59  }
0x22b: {  	s1 =	simm.s32 $0x10;
	s10 =	simm.s32 $0xF;
	v52 =	vadd.s32 v12, v52;
	v50 =	vld [tilespmem:s0+$0xFFFFFFB0];
	[tilespmem:v38+s23+$0x0] =	vst.idx.msk $0xffff, v54;
	v54 =	vmov s11;
	v38 =	vmov s17  }
.LBB2_19:
0x22c: {  	p0 =	slt.u32 s1, $0x78;
	v53 =	vshrl.u32 v53, $0x3;
	v55 =	vmov s10;
	v56 =	vld [tilespmem:s0+$0xFFFFFFF0];
	v35 =	vadd.s32 v16, v35;
	[tilespmem:v41+s23+$0x0] =	vst.idx.msk $0xffff, v40  }
0x22d: {  	v40 =	vshrl.u32 v54, $0x3;
	v34 =	vadd.s32 v20, v34;
	v41 =	vshrl.u32 v55, $0x3;
	v54 =	vld [tilespmem:s0+$0x30];
	[tilespmem:v43+s23+$0x0] =	vst.idx.msk $0xffff, v42  }
0x22e: {  	v37 =	vadd.s32 v24, v37;
	v42 =	vshrl.u32 v44, $0x3;
	v41 =	vshll.u32 v41, v1;
	[tilespmem:v48+s23+$0x0] =	vst.idx.msk $0xffff, v46;
	v43 =	vld [tilespmem:s0+$0x70]  }
0x22f: {  	v36 =	vadd.s32 v28, v36;
	v44 =	vshrl.u32 v47, $0x3;
	v41 =	vbroadcast v41, $0x0;
	[tilespmem:v51+s23+$0x0] =	vst.idx.msk $0xffff, v49;
	v46 =	vld [tilespmem:s0+$0xB0]  }
0x230: {  	v47 =	vshll.u32 v53, v1;
	v49 =	vadd.s32 v4, v33;
	v33 =	vbroadcast v45, $0x0;
	v48 =	vld [tilespmem:s0+$0xFFFFFF30];
	[tilespmem:v52+s23+$0x0] =	vst.idx.msk $0xffff, v50;
	s0 =	sadd.s32 $0x200, s0  }
0x231: {  	v40 =	vshll.u32 v40, v1;
	v45 =	vbroadcast v47, $0x0;
	v47 =	vld [tilespmem:s0+$0xC0];
	v50 =	vadd.s32 v29, v41;
	[tilespmem:v35+s23+$0x0] =	vst.idx.msk $0xffff, v56  }
0x232: {  	v55 =	vbroadcast v40, $0x0;
	v52 =	vadd.s32 v0, v33;
	v35 =	vshll.u32 v42, v1;
	v51 =	vld [tilespmem:s0+$0xFFFFFF00];
	[tilespmem:v34+s23+$0x0] =	vst.idx.msk $0xffff, v54  }
0x233: {  	v42 =	vadd.s32 v5, v45;
	v35 =	vbroadcast v35, $0x0;
	v34 =	vshll.u32 v44, v1;
	v40 =	vld [tilespmem:s0+$0xFFFFFF40];
	[tilespmem:v37+s23+$0x0] =	vst.idx.msk $0xffff, v43  }
0x234: {  	v44 =	vadd.s32 v9, v55;
	v34 =	vbroadcast v34, $0x0;
	v37 =	vshrl.u32 v38, $0x3;
	v43 =	vld [tilespmem:s0+$0xFFFFFF80];
	[tilespmem:v36+s23+$0x0] =	vst.idx.msk $0xffff, v46  }
0x235: {  	v39 =	vshrl.u32 v39, $0x3;
	v46 =	vadd.s32 v13, v35;
	v36 =	vshll.u32 v37, v1;
	v38 =	vld [tilespmem:s0+$0xFFFFFFC0];
	[tilespmem:v49+s23+$0x0] =	vst.idx.msk $0xffff, v48  }
0x236: {  	v49 =	vadd.s32 v17, v34;
	v37 =	vbroadcast v36, $0x0;
	v36 =	vshll.u32 v39, v1;
	v48 =	vld [tilespmem:s0+$0x0];
	[tilespmem:v50+s23+$0x0] =	vst.idx.msk $0xffff, v47  }
0x237: {  	v36 =	vbroadcast v36, $0x0;
	v47 =	vadd.s32 v30, v41;
	[tilespmem:v52+s23+$0x0] =	vst.idx.msk $0xffff, v51;
	v39 =	vld [tilespmem:s0+$0xD0]  }
0x238: {  	[tilespmem:v42+s23+$0x0] =	vst.idx.msk $0xffff, v40;
	v40 =	vld [tilespmem:s0+$0x40];
	v42 =	vadd.s32 v21, v37  }
0x239: {  	[tilespmem:v44+s23+$0x0] =	vst.idx.msk $0xffff, v43;
	v43 =	vld [tilespmem:s0+$0x80];
	v44 =	vadd.s32 v25, v36  }
0x23a: {  	v51 =	vadd.s32 v6, v45;
	v50 =	vld [tilespmem:s0+$0xFFFFFF50];
	[tilespmem:v46+s23+$0x0] =	vst.idx.msk $0xffff, v38  }
0x23b: {  	v46 =	vadd.s32 v10, v55;
	v38 =	vld [tilespmem:s0+$0xFFFFFF90];
	[tilespmem:v49+s23+$0x0] =	vst.idx.msk $0xffff, v48  }
0x23c: {  	v49 =	vadd.s32 v14, v35;
	v48 =	vld [tilespmem:s0+$0xFFFFFFD0];
	[tilespmem:v47+s23+$0x0] =	vst.idx.msk $0xffff, v39  }
0x23d: {  	[tilespmem:v42+s23+$0x0] =	vst.idx.msk $0xffff, v40;
	v39 =	vld [tilespmem:s0+$0xE0];
	v40 =	vadd.s32 v31, v41  }
0x23e: {  	v47 =	vadd.s32 v18, v34;
	v42 =	vld [tilespmem:s0+$0x10];
	[tilespmem:v44+s23+$0x0] =	vst.idx.msk $0xffff, v43  }
0x23f: {  	v44 =	vadd.s32 v22, v37;
	[tilespmem:v51+s23+$0x0] =	vst.idx.msk $0xffff, v50;
	v43 =	vld [tilespmem:s0+$0x50]  }
0x240: {  	[tilespmem:v46+s23+$0x0] =	vst.idx.msk $0xffff, v38;
	v38 =	vld [tilespmem:s0+$0x90];
	v46 =	vadd.s32 v26, v36  }
0x241: {  	v51 =	vadd.s32 v2, v33;
	v50 =	vld [tilespmem:s0+$0xFFFFFF10];
	[tilespmem:v49+s23+$0x0] =	vst.idx.msk $0xffff, v48  }
0x242: {  	v49 =	vadd.s32 v7, v45;
	v48 =	vld [tilespmem:s0+$0xFFFFFF60];
	[tilespmem:v40+s23+$0x0] =	vst.idx.msk $0xffff, v39  }
0x243: {  	[tilespmem:v47+s23+$0x0] =	vst.idx.msk $0xffff, v42;
	v39 =	vld [tilespmem:s0+$0xF0];
	v47 =	vadd.s32 v32, v41  }
0x244: {  	v56 =	vadd.s32 v11, v55;
	v52 =	vld [tilespmem:s0+$0xFFFFFFA0];
	[tilespmem:v44+s23+$0x0] =	vst.idx.msk $0xffff, v43  }
0x245: {  	v58 =	vadd.s32 v15, v35;
	v57 =	vld [tilespmem:s0+$0xFFFFFFE0];
	[tilespmem:v46+s23+$0x0] =	vst.idx.msk $0xffff, v38  }
0x246: {  	v60 =	vadd.s32 v19, v34;
	[tilespmem:v51+s23+$0x0] =	vst.idx.msk $0xffff, v50;
	v59 =	vld [tilespmem:s0+$0x20]  }
.Ltmp9:
0x247: {  	s10 =	sadd.s32 $0x1, s1;
	v41 =	vadd.s32 v23, v37;
	v38 =	vmov s1;
	[tilespmem:v49+s23+$0x0] =	vst.idx.msk $0xffff, v48;
	v40 =	vld [tilespmem:s0+$0x60];
	(pc) =	sbr.rel @p0 .LBB2_19-.Ltmp9, $4  }
0x248: {  	s11 =	sadd.s32 $0x3, s1;
	v53 =	vmov s10;
	s10 =	sadd.s32 $0x2, s1;
	v43 =	vadd.s32 v27, v36;
	v50 =	vshrl.u32 v38, $0x3;
	v42 =	vld [tilespmem:s0+$0xA0];
	[tilespmem:v47+s23+$0x0] =	vst.idx.msk $0xffff, v39  }
0x249: {  	v54 =	vmov s10;
	s10 =	sadd.s32 $0x4, s1;
	v44 =	vmov s11;
	s11 =	sadd.s32 $0x5, s1;
	v48 =	vadd.s32 v3, v33;
	v46 =	vld [tilespmem:s0+$0xFFFFFF20];
	[tilespmem:v56+s23+$0x0] =	vst.idx.msk $0xffff, v52  }
0x24a: {  	v38 =	vmov s11;
	v51 =	vadd.s32 v8, v45;
	v47 =	vmov s10;
	s10 =	sadd.s32 $0x6, s1;
	v49 =	vld [tilespmem:s0+$0xFFFFFF70];
	[tilespmem:v58+s23+$0x0] =	vst.idx.msk $0xffff, v57  }
0x24b: {  	v45 =	vshll.u32 v50, v1;
	v39 =	vmov s10;
	s10 =	sadd.s32 $0x7, s1;
	s1 =	sadd.s32 $0x8, s1;
	v52 =	vadd.s32 v12, v55;
	v50 =	vld [tilespmem:s0+$0xFFFFFFB0];
	[tilespmem:v60+s23+$0x0] =	vst.idx.msk $0xffff, v59  }
0x24c: {  	_ =	sdelay $0x2  }
0x24d: {  	v53 =	vshrl.u32 v53, $0x3  }
0x24e: {  	v55 =	vmov s10;
	v56 =	vld [tilespmem:s0+$0xFFFFFFF0];
	v35 =	vadd.s32 v16, v35;
	[tilespmem:v41+s23+$0x0] =	vst.idx.msk $0xffff, v40;
	v57 =	vshrl.u32 v54, $0x3  }
0x24f: {  	v59 =	vld [tilespmem:s0+$0x30];
	v34 =	vadd.s32 v20, v34;
	v60 =	vshrl.u32 v44, $0x3;
	v58 =	vshrl.u32 v55, $0x3;
	[tilespmem:v43+s23+$0x0] =	vst.idx.msk $0xffff, v42  }
0x250: {  	v37 =	vadd.s32 v24, v37;
	v62 =	vshrl.u32 v47, $0x3;
	v61 =	vld [tilespmem:s0+$0x70];
	v41 =	vshll.u32 v58, v1;
	[tilespmem:v48+s23+$0x0] =	vst.idx.msk $0xffff, v46  }
0x251: {  	v36 =	vadd.s32 v28, v36;
	v45 =	vbroadcast v45, $0x0;
	v63 =	vld [tilespmem:s0+$0xB0];
	v41 =	vbroadcast v41, $0x0;
	[tilespmem:v51+s23+$0x0] =	vst.idx.msk $0xffff, v49  }
0x252: {  	v33 =	vadd.s32 v4, v33;
	s31 =	sadd.s32 $0x200, s0;
	v38 =	vshrl.u32 v38, $0x3;
	v55 =	vshll.u32 v53, v1;
	v48 =	vld [tilespmem:s0+$0xFFFFFF30];
	[tilespmem:v52+s23+$0x0] =	vst.idx.msk $0xffff, v50  }
0x253: {  	v40 =	vshll.u32 v57, v1;
	v47 =	vbroadcast v55, $0x0;
	v49 =	vld [tilespmem:s31+$0xC0];
	v50 =	vadd.s32 v29, v41;
	[tilespmem:v35+s23+$0x0] =	vst.idx.msk $0xffff, v56  }
0x254: {  	v42 =	vshll.u32 v60, v1;
	v40 =	vbroadcast v40, $0x0;
	v35 =	vld [tilespmem:s31+$0xFFFFFF00];
	v56 =	vadd.s32 v0, v45;
	[tilespmem:v34+s23+$0x0] =	vst.idx.msk $0xffff, v59  }
0x255: {  	v57 =	vld [tilespmem:s31+$0xFFFFFF40];
	v44 =	vshll.u32 v62, v1;
	v42 =	vbroadcast v42, $0x0;
	v58 =	vadd.s32 v5, v47;
	[tilespmem:v37+s23+$0x0] =	vst.idx.msk $0xffff, v61  }
0x256: {  	v38 =	vshll.u32 v38, v1;
	v44 =	vbroadcast v44, $0x0;
	v60 =	vadd.s32 v9, v40;
	v59 =	vld [tilespmem:s31+$0xFFFFFF80];
	[tilespmem:v36+s23+$0x0] =	vst.idx.msk $0xffff, v63  }
0x257: {  	v38 =	vbroadcast v38, $0x0;
	v62 =	vadd.s32 v13, v42;
	v61 =	vld [tilespmem:s31+$0xFFFFFFC0];
	[tilespmem:v33+s23+$0x0] =	vst.idx.msk $0xffff, v48  }
0x258: {  	v39 =	vshrl.u32 v39, $0x3;
	v63 =	vadd.s32 v17, v44;
	v33 =	vld [tilespmem:s31+$0x0];
	[tilespmem:v50+s23+$0x0] =	vst.idx.msk $0xffff, v49  }
0x259: {  	v39 =	vshll.u32 v39, v1;
	v34 =	vld [tilespmem:s31+$0x40];
	[tilespmem:v56+s23+$0x0] =	vst.idx.msk $0xffff, v35;
	v56 =	vadd.s32 v21, v38  }
0x25a: {  	[tilespmem:v58+s23+$0x0] =	vst.idx.msk $0xffff, v57;
	v35 =	vbroadcast v39, $0x0;
	v49 =	vadd.s32 v30, v41;
	v39 =	vld [tilespmem:s31+$0xD0]  }
0x25b: {  	[tilespmem:v60+s23+$0x0] =	vst.idx.msk $0xffff, v59;
	v59 =	vld [tilespmem:s31+$0xFFFFFF50];
	v60 =	vadd.s32 v6, v47  }
0x25c: {  	v57 =	vld [tilespmem:s31+$0x80];
	[tilespmem:v62+s23+$0x0] =	vst.idx.msk $0xffff, v61;
	v58 =	vadd.s32 v25, v35  }
0x25d: {  	v61 =	vld [tilespmem:s31+$0xFFFFFF90];
	v62 =	vadd.s32 v10, v40;
	[tilespmem:v63+s23+$0x0] =	vst.idx.msk $0xffff, v33  }
0x25e: {  	v33 =	vld [tilespmem:s31+$0xFFFFFFD0];
	v63 =	vadd.s32 v14, v42;
	[tilespmem:v56+s23+$0x0] =	vst.idx.msk $0xffff, v34  }
0x25f: {  	v56 =	vadd.s32 v18, v44;
	[tilespmem:v49+s23+$0x0] =	vst.idx.msk $0xffff, v39;
	v49 =	vld [tilespmem:s31+$0x10]  }
0x260: {  	[tilespmem:v60+s23+$0x0] =	vst.idx.msk $0xffff, v59;
	v39 =	vadd.s32 v31, v41;
	v34 =	vld [tilespmem:s31+$0xE0]  }
0x261: {  	[tilespmem:v58+s23+$0x0] =	vst.idx.msk $0xffff, v57;
	v57 =	vld [tilespmem:s31+$0x50];
	v58 =	vadd.s32 v22, v38  }
0x262: {  	[tilespmem:v62+s23+$0x0] =	vst.idx.msk $0xffff, v61;
	v61 =	vld [tilespmem:s31+$0xFFFFFF10];
	v62 =	vadd.s32 v2, v45  }
0x263: {  	v60 =	vadd.s32 v26, v35;
	v59 =	vld [tilespmem:s31+$0x90];
	[tilespmem:v63+s23+$0x0] =	vst.idx.msk $0xffff, v33  }
0x264: {  	v55 =	vadd.s32 v11, v40;
	v54 =	vadd.s32 v32, v41;
	v41 =	vld [tilespmem:s31+$0xFFFFFFA0];
	[tilespmem:v56+s23+$0x0] =	vst.idx.msk $0xffff, v49  }
0x265: {  	v53 =	vadd.s32 v7, v47;
	v63 =	vld [tilespmem:s31+$0xFFFFFF60];
	[tilespmem:v39+s23+$0x0] =	vst.idx.msk $0xffff, v34  }
0x266: {  	v56 =	vld [tilespmem:s31+$0xFFFFFFE0];
	[tilespmem:v58+s23+$0x0] =	vst.idx.msk $0xffff, v57;
	v57 =	vadd.s32 v15, v42  }
0x267: {  	[tilespmem:v62+s23+$0x0] =	vst.idx.msk $0xffff, v61;
	v34 =	vld [tilespmem:s31+$0xF0]  }
0x268: {  	v58 =	vld [tilespmem:s31+$0x20];
	[tilespmem:v60+s23+$0x0] =	vst.idx.msk $0xffff, v59;
	v59 =	vadd.s32 v19, v44  }
0x269: {  	v61 =	vadd.s32 v23, v38;
	[tilespmem:v55+s23+$0x0] =	vst.idx.msk $0xffff, v41;
	v60 =	vld [tilespmem:s31+$0x60]  }
0x26a: {  	[tilespmem:v53+s23+$0x0] =	vst.idx.msk $0xffff, v63;
	v63 =	vadd.s32 v27, v35;
	v62 =	vld [tilespmem:s31+$0xA0]  }
0x26b: {  	v47 =	vadd.s32 v8, v47;
	v55 =	vld [tilespmem:s31+$0xFFFFFF70];
	[tilespmem:v57+s23+$0x0] =	vst.idx.msk $0xffff, v56  }
0x26c: {  	v53 =	vld [tilespmem:s31+$0xFFFFFF20];
	[tilespmem:v54+s23+$0x0] =	vst.idx.msk $0xffff, v34;
	v54 =	vadd.s32 v3, v45  }
0x26d: {  	v40 =	vadd.s32 v12, v40;
	v56 =	vld [tilespmem:s31+$0xFFFFFFB0];
	[tilespmem:v59+s23+$0x0] =	vst.idx.msk $0xffff, v58  }
0x26e: {  	v42 =	vadd.s32 v16, v42;
	v57 =	vld [tilespmem:s31+$0xFFFFFFF0];
	[tilespmem:v61+s23+$0x0] =	vst.idx.msk $0xffff, v60  }
0x26f: {  	v59 =	vadd.s32 v20, v44;
	v58 =	vld [tilespmem:s31+$0x30];
	[tilespmem:v63+s23+$0x0] =	vst.idx.msk $0xffff, v62  }
0x270: {  	v38 =	vadd.s32 v24, v38;
	v60 =	vld [tilespmem:s31+$0x70];
	[tilespmem:v47+s23+$0x0] =	vst.idx.msk $0xffff, v55  }
0x271: {  	v35 =	vadd.s32 v28, v35;
	v61 =	vld [tilespmem:s31+$0xB0];
	[tilespmem:v54+s23+$0x0] =	vst.idx.msk $0xffff, v53  }
0x272: {  	v63 =	vadd.s32 v4, v45;
	[tilespmem:v40+s23+$0x0] =	vst.idx.msk $0xffff, v56;
	v62 =	vld [tilespmem:s31+$0xFFFFFF30]  }
0x273: {  	[tilespmem:v42+s23+$0x0] =	vst.idx.msk $0xffff, v57  }
0x274: {  	s1 =	sshll.u32 s30, $0x12;
	[tilespmem:v59+s23+$0x0] =	vst.idx.msk $0xffff, v58  }
0x275: {  	s0 =	sor.u32 s4, s1;
	[tilespmem:v38+s23+$0x0] =	vst.idx.msk $0xffff, v60  }
0x276: {  	s0 =	sshrl.u32 s0, $0x3;
	[tilespmem:v35+s23+$0x0] =	vst.idx.msk $0xffff, v61  }
0x277: {  	s10 =	simm.s32 $0x10600;
	s1 =	sadd.s32 s2, s0;
	[tilespmem:v63+s23+$0x0] =	vst.idx.msk $0xffff, v62  }
0x278: {  	[hbm4b:s1+s3] =	stream.linear.scatter [tilespmem:s10], [sflag:$0x6], $0x80, $0x38;
	[tilespmem:$0x12800] =	vst v63  }
0x279: {  	s11 =	simm.s32 $0x10688;
	s15 =	sadd.s32 $0x10, s1  }
0x27a: {  	[hbm4b:s15+s3] =	stream.linear.scatter [tilespmem:s11], [sflag:$0x6], $0x80, $0x38;
	[tilespmem:$0x12800] =	vst v63  }
0x27b: {  	s16 =	simm.s32 $0x10710;
	s30 =	simm.s32 $0x10798;
	s17 =	sadd.s32 $0x20, s1  }
0x27c: {  	[hbm4b:s17+s3] =	stream.linear.scatter [tilespmem:s16], [sflag:$0x6], $0x80, $0x38;
	[tilespmem:$0x12800] =	vst v63  }
0x27d: {  	s0 =	simm.s32 $0x440;
	s31 =	sadd.s32 $0x30, s1;
	s10 =	simm.s32 $0x2200  }
0x27e: {  	[hbm4b:s31+s3] =	stream.linear.scatter [tilespmem:s30], [sflag:$0x6], $0x80, $0x38;
	[tilespmem:$0x12800] =	vst v63  }
0x27f: {  	s11 =	simm.s32 $0x10820;
	s15 =	sadd.s32 $0x40, s1;
	s16 =	simm.s32 $0x108A8  }
0x280: {  	[hbm4b:s15+s3] =	stream.linear.scatter [tilespmem:s11], [sflag:$0x6], $0x80, $0x38;
	[tilespmem:$0x12800] =	vst v63  }
0x281: {  	s17 =	sadd.s32 $0x50, s1;
	s30 =	simm.s32 $0x10930;
	s31 =	sadd.s32 $0x60, s1  }
0x282: {  	[hbm4b:s17+s3] =	stream.linear.scatter [tilespmem:s16], [sflag:$0x6], $0x80, $0x38;
	[tilespmem:$0x12800] =	vst v63  }
0x283: {  	s11 =	simm.s32 $0x109B8;
	s15 =	sadd.s32 $0x70, s1;
	s1 =	sadd.s32 $0x1000, s1  }
0x284: {  	[hbm4b:s31+s3] =	stream.linear.scatter [tilespmem:s30], [sflag:$0x6], $0x80, $0x38;
	[tilespmem:$0x12800] =	vst v63  }
.LBB2_21:
0x285: {  	[hbm4b:s15+s3] =	stream.linear.scatter [tilespmem:s11], [sflag:$0x6], $0x80, $0x38;
	[tilespmem:$0x12800] =	vst v63  }
0x286: {  	s11 =	smov.u32 s0;
	s0 =	smov.u32 s10  }
0x287: {  	s16 =	sadd.s32 $0x1100, s10;
	s0 =	sshra.s32 s0, $0x2;
	s15 =	sadd.s32 $0x10600, s11  }
0x288: {  	[hbm4b:s1+s3] =	stream.linear.scatter [tilespmem:s15], [sflag:$0x6], $0x80, $0x38;
	[tilespmem:$0x12800] =	vst v63  }
0x289: {  	p0 =	sne.s32 s10, $0x7700;
	s10 =	sadd.s32 $0x10688, s11;
	s15 =	sadd.s32 $0x10, s1  }
0x28a: {  	[hbm4b:s15+s3] =	stream.linear.scatter [tilespmem:s10], [sflag:$0x6], $0x80, $0x38;
	[tilespmem:$0x12800] =	vst v63  }
0x28b: {  	s10 =	sadd.s32 $0x10710, s11;
	s15 =	sadd.s32 $0x20, s1  }
0x28c: {  	[hbm4b:s15+s3] =	stream.linear.scatter [tilespmem:s10], [sflag:$0x6], $0x80, $0x38;
	[tilespmem:$0x12800] =	vst v63  }
0x28d: {  	s10 =	sadd.s32 $0x10798, s11;
	s15 =	sadd.s32 $0x30, s1  }
0x28e: {  	[hbm4b:s15+s3] =	stream.linear.scatter [tilespmem:s10], [sflag:$0x6], $0x80, $0x38;
	[tilespmem:$0x12800] =	vst v63  }
0x28f: {  	s10 =	sadd.s32 $0x10820, s11;
	s15 =	sadd.s32 $0x40, s1  }
0x290: {  	[hbm4b:s15+s3] =	stream.linear.scatter [tilespmem:s10], [sflag:$0x6], $0x80, $0x38;
	[tilespmem:$0x12800] =	vst v63  }
.Ltmp10:
0x291: {  	s10 =	sadd.s32 $0x108A8, s11;
	s15 =	sadd.s32 $0x50, s1;
	(pc) =	sbr.rel @p0 .LBB2_21-.Ltmp10, $4  }
0x292: {  	[hbm4b:s15+s3] =	stream.linear.scatter [tilespmem:s10], [sflag:$0x6], $0x80, $0x38;
	[tilespmem:$0x12800] =	vst v63  }
0x293: {  	s10 =	sadd.s32 $0x10930, s11;
	s15 =	sadd.s32 $0x60, s1;
	s11 =	sadd.s32 $0x109B8, s11  }
0x294: {  	[hbm4b:s15+s3] =	stream.linear.scatter [tilespmem:s10], [sflag:$0x6], $0x80, $0x38;
	[tilespmem:$0x12800] =	vst v63  }
0x295: {  	s15 =	sadd.s32 $0x70, s1;
	s1 =	sadd.s32 $0x1000, s1;
	s10 =	smov.u32 s16  }
0x296: {  	[hbm4b:s15+s3] =	stream.linear.scatter [tilespmem:s11], [sflag:$0x6], $0x80, $0x38;
	[tilespmem:$0x12800] =	vst v63  }
0x297: {  	s10 =	sadd.s32 $0x10600, s0  }
0x298: {  	[hbm4b:s1+s3] =	stream.linear.scatter [tilespmem:s10], [sflag:$0x6], $0x80, $0x38;
	[tilespmem:$0x12800] =	vst v63  }
0x299: {  	s30 =	sadd.s32 $0x10688, s0;
	s31 =	sadd.s32 $0x10, s1  }
0x29a: {  	[hbm4b:s31+s3] =	stream.linear.scatter [tilespmem:s30], [sflag:$0x6], $0x80, $0x38;
	[tilespmem:$0x12800] =	vst v63  }
0x29b: {  	s11 =	sadd.s32 $0x10710, s0;
	s15 =	sadd.s32 $0x20, s1  }
0x29c: {  	[hbm4b:s15+s3] =	stream.linear.scatter [tilespmem:s11], [sflag:$0x6], $0x80, $0x38;
	[tilespmem:$0x12800] =	vst v63  }
0x29d: {  	s16 =	sadd.s32 $0x10798, s0;
	s17 =	sadd.s32 $0x30, s1  }
0x29e: {  	[hbm4b:s17+s3] =	stream.linear.scatter [tilespmem:s16], [sflag:$0x6], $0x80, $0x38;
	[tilespmem:$0x12800] =	vst v63  }
0x29f: {  	s29 =	sadd.s32 $0x1, s29;
	s30 =	sadd.s32 $0x10820, s0;
	s31 =	sadd.s32 $0x40, s1  }
0x2a0: {  	[hbm4b:s31+s3] =	stream.linear.scatter [tilespmem:s30], [sflag:$0x6], $0x80, $0x38;
	[tilespmem:$0x12800] =	vst v63  }
0x2a1: {  	p0 =	sne.s32 s29, $0x32;
	s11 =	sadd.s32 $0x108A8, s0;
	s15 =	sadd.s32 $0x50, s1  }
0x2a2: {  	[hbm4b:s15+s3] =	stream.linear.scatter [tilespmem:s11], [sflag:$0x6], $0x80, $0x38;
	[tilespmem:$0x12800] =	vst v63  }
.Ltmp11:
0x2a3: {  	_ = 	snop;
	(pc) =	sbr.rel @p0 .LBB2_2-.Ltmp11, $4  }
0x2a4: {  	s16 =	sadd.s32 $0x10930, s0;
	s17 =	sadd.s32 $0x60, s1  }
0x2a5: {  	[hbm4b:s17+s3] =	stream.linear.scatter [tilespmem:s16], [sflag:$0x6], $0x80, $0x38;
	[tilespmem:$0x12800] =	vst v63  }
0x2a6: {  	s30 =	sadd.s32 $0x109B8, s0;
	s31 =	sadd.s32 $0x70, s1  }
0x2a7: {  	[hbm4b:s31+s3] =	stream.linear.scatter [tilespmem:s30], [sflag:$0x6], $0x80, $0x38;
	[tilespmem:$0x12800] =	vst v63  }
0x2a8: {  	s28 =	sadd.s32 $0x1, s28  }
0x2a9: {  	_ =	swait.ge [sflag:s25], $0x2000;
	p0 =	sne.s32 s28, s9  }
.Ltmp12:
0x2aa: {  	[sflag:s25] =	ssyncset.done $0x0;
	(pc) =	sbr.rel @p0 .LBB2_1-.Ltmp12, $4  }
0x2ab: {  	[sflag:s25] =	ssyncadd.s32 $0xFFFFE000  }
0x2ac: {  	_ =	swait.ge [sflag:s22], $0x2000  }
0x2ad: {  	[sflag:s22] =	ssyncset.done $0x0  }
0x2ae: {  	[sflag:s22] =	ssyncadd.s32 $0xFFFFE000  }
0x2af: {  	_ =	sfence.sel $0x180000  }
0x2b0: {  	[bflag:$0x0] =	sbarrier.arrive $0xFFFF  }
0x2b1: {  	_ =	strace $0x90000047  }
0x2b2: {  	s0 =	stileid.u32;
	[bflag:$0x2] =	sbarrier.arrive $0xFFFF  }
0x2b3: {  	p0 =	sne.s32 s0, $0x0;
	s0 =	rddreg [dreg:$0x3]  }
0x2b4: {  	s0 =	sadd.s32 @!p0 $0x100000, s0  }
0x2b5: {  	[sflag:s0] =	ssyncadd.tile.s32 @!p0 $0x1;
	_ =	shalt  }
.Lfunc_end2:
_tile_overlayer_lowered:
.L_overlay_start_2:
0x2b6: {  	(tag) =	ssettag $0x2  }
0x2b7: {  	s0 =	rddreg [dreg:$0x0];
	s2 =	stileid.u32  }
0x2b8: {  	s1 =	rddreg [dreg:$0x1];
	p0 =	sne.s32 s2, $0x0  }
0x2b9: {  	s3 =	rddreg [dreg:$0x2];
	[bflag:$0x3] =	sbarrier.arrive $0xFFFF;
	s2 =	simm.s32 @!p0 $0x1C07  }
0x2ba: {  	[timem:s3], [sflag:s2] =	dma.local @!p0 [hbm:s0], s1  }
0x2bb: {  	s0 =	simm.s32 @!p0 $0x7  }
0x2bc: {  	_ =	swait.ge @!p0 [sflag:s0], s1  }
0x2bd: {  	s1 =	ssub.s32 @!p0 $0x0, s1;
	[sflag:s0] =	ssyncset.done @!p0 $0x0  }
0x2be: {  	[sflag:s0] =	ssyncadd.s32 @!p0 s1  }
0x2bf: {  	[bflag:$0x3] =	sbarrier.arrive $0xFFFF  }
0x2c0: {  	_ =	shalt  }

</sc_bundles>
